<compile_context>
chip_gen: v7x
topology: tpu7x:2x2x1
jax: 0.10.2.dev20260603
libtpu: 0.0.44.dev20260713+nightly
codegen_flags: <defaults>
</compile_context>

<pallas_src>
import math
import jax
import jax.numpy as jnp
from jax.experimental import pallas as pl
from jax.experimental.pallas import tpu as pltpu

_N = 1000
_NPAD = 1024
_C = 81
_CM1 = 80
_IMG_W = 1024.0
_IMG_H = 1024.0
_SCORE_THRESH = 0.05
_NMS_THRESH = 0.5
_DETS = 100
_WX, _WY, _WW, _WH = 10.0, 10.0, 5.0, 5.0
_CLIP = math.log(1000.0 / 16.0)
_BR = 128
_NB = _NPAD // _BR


def _dense_body(logits_ref, dx_ref, dy_ref, dw_ref, dh_ref, pb_ref,
                probs_ref, x1_ref, y1_ref, x2_ref, y2_ref):
    logits = logits_ref[...]
    m = jnp.max(logits, axis=1, keepdims=True)
    e = jnp.exp(logits - m)
    probs = e / jnp.sum(e, axis=1, keepdims=True)
    probs_ref[...] = probs[:, 1:]

    pb = pb_ref[...]
    widths = pb[:, 2:3] - pb[:, 0:1] + 1.0
    heights = pb[:, 3:4] - pb[:, 1:2] + 1.0
    ctr_x = pb[:, 0:1] + 0.5 * widths
    ctr_y = pb[:, 1:2] + 0.5 * heights

    dx = dx_ref[...] / _WX
    dy = dy_ref[...] / _WY
    dw = jnp.minimum(dw_ref[...] / _WW, _CLIP)
    dh = jnp.minimum(dh_ref[...] / _WH, _CLIP)

    pred_ctr_x = dx * widths + ctr_x
    pred_ctr_y = dy * heights + ctr_y
    pred_w = jnp.exp(dw) * widths
    pred_h = jnp.exp(dh) * heights

    x1 = pred_ctr_x - 0.5 * pred_w
    y1 = pred_ctr_y - 0.5 * pred_h
    x2 = pred_ctr_x + 0.5 * pred_w - 1.0
    y2 = pred_ctr_y + 0.5 * pred_h - 1.0

    x1_ref[...] = jnp.clip(x1, 0.0, _IMG_W - 1.0)
    y1_ref[...] = jnp.clip(y1, 0.0, _IMG_H - 1.0)
    x2_ref[...] = jnp.clip(x2, 0.0, _IMG_W - 1.0)
    y2_ref[...] = jnp.clip(y2, 0.0, _IMG_H - 1.0)


def _dense_stage(class_logits, box_regression, proposal_boxes):
    rc = box_regression.reshape(_N, _C, 4)[:, 1:]
    out_shapes = tuple(
        jax.ShapeDtypeStruct((_N, _CM1), jnp.float32) for _ in range(5))
    return pl.pallas_call(
        _dense_body,
        out_shape=out_shapes,
    )(class_logits, rc[:, :, 0], rc[:, :, 1], rc[:, :, 2], rc[:, :, 3],
      proposal_boxes)


def _nms_body(x1_ref, y1_ref, x2_ref, y2_ref, s_ref,
              key_ref, keep_ref, area_ref):
    s = s_ref[...]
    valid = s > _SCORE_THRESH
    keep_ref[...] = valid.astype(jnp.float32)
    x1 = x1_ref[...]
    y1 = y1_ref[...]
    x2 = x2_ref[...]
    y2 = y2_ref[...]
    area_ref[...] = (x2 - x1 + 1.0) * (y2 - y1 + 1.0)

    row_any = jnp.any(valid, axis=1, keepdims=True)
    t_last = jnp.sum(row_any.astype(jnp.int32))
    bmax = (t_last + _BR - 1) // _BR

    def step(i, carry):
        krow = keep_ref[pl.ds(i, 1), :]

        @pl.when(jnp.max(krow) > 0.0)
        def _():
            x1i = x1_ref[pl.ds(i, 1), :]
            y1i = y1_ref[pl.ds(i, 1), :]
            x2i = x2_ref[pl.ds(i, 1), :]
            y2i = y2_ref[pl.ds(i, 1), :]
            ai = area_ref[pl.ds(i, 1), :]

            def blk(b, c2):
                off = b * _BR
                x1b = x1_ref[pl.ds(off, _BR), :]
                y1b = y1_ref[pl.ds(off, _BR), :]
                x2b = x2_ref[pl.ds(off, _BR), :]
                y2b = y2_ref[pl.ds(off, _BR), :]
                ab = area_ref[pl.ds(off, _BR), :]
                xx1 = jnp.maximum(x1i, x1b)
                yy1 = jnp.maximum(y1i, y1b)
                xx2 = jnp.minimum(x2i, x2b)
                yy2 = jnp.minimum(y2i, y2b)
                w = jnp.maximum(xx2 - xx1 + 1.0, 0.0)
                h = jnp.maximum(yy2 - yy1 + 1.0, 0.0)
                inter = w * h
                iou = inter / (ai + ab - inter)
                rows = off + jax.lax.broadcasted_iota(
                    jnp.int32, (_BR, _CM1), 0)
                sup = (iou > _NMS_THRESH) & (rows > i) & (krow > 0.0)
                kb = keep_ref[pl.ds(off, _BR), :]
                keep_ref[pl.ds(off, _BR), :] = jnp.where(sup, 0.0, kb)
                return c2

            jax.lax.fori_loop(i // _BR, bmax, blk, 0)
        return carry

    jax.lax.fori_loop(0, t_last, step, 0)
    key_ref[...] = jnp.where(keep_ref[...] > 0.0, s, -1.0)


def _nms_stage(x1s, y1s, x2s, y2s, s_s):
    return pl.pallas_call(
        _nms_body,
        out_shape=jax.ShapeDtypeStruct((_NPAD, _CM1), jnp.float32),
        scratch_shapes=[
            pltpu.VMEM((_NPAD, _CM1), jnp.float32),
            pltpu.VMEM((_NPAD, _CM1), jnp.float32),
        ],
    )(x1s, y1s, x2s, y2s, s_s)


def kernel(class_logits, box_regression, proposal_boxes):
    probs, x1, y1, x2, y2 = _dense_stage(
        class_logits, box_regression, proposal_boxes)

    order = jnp.argsort(-probs, axis=0)
    s_s = jnp.take_along_axis(probs, order, axis=0)
    x1s = jnp.take_along_axis(x1, order, axis=0)
    y1s = jnp.take_along_axis(y1, order, axis=0)
    x2s = jnp.take_along_axis(x2, order, axis=0)
    y2s = jnp.take_along_axis(y2, order, axis=0)

    pad = ((0, _NPAD - _N), (0, 0))
    key = _nms_stage(
        jnp.pad(x1s, pad), jnp.pad(y1s, pad), jnp.pad(x2s, pad),
        jnp.pad(y2s, pad), jnp.pad(s_s, pad, constant_values=-1.0))[:_N]

    key_flat = key.T.reshape(-1)
    _, topi = jax.lax.top_k(key_flat, _DETS)
    sel = key_flat[topi]
    sel_valid = sel > 0.0
    b_s = jnp.stack([x1s, y1s, x2s, y2s], axis=-1)
    b_flat = jnp.transpose(b_s, (1, 0, 2)).reshape(-1, 4)
    labels = jnp.broadcast_to(jnp.arange(1, _C)[:, None], (_CM1, _N))
    out_boxes = b_flat[topi]
    out_scores = jnp.where(sel_valid, sel, 0.0)
    out_labels = jnp.where(sel_valid, labels.reshape(-1)[topi], 0)
    return out_boxes, out_scores, out_labels

# --- scband reference (transcript-rebuilt; emitter-appended) ---
"""Pipeline reference for scband-post-processor-83992380440892 (READ-ONLY COPY).

The authoritative reference and input builder live on the scoring server;
editing this copy changes nothing except your own understanding.
"""

import jax, jax.numpy as jnp
import numpy as np
import math

N = 1000
NUM_CLASSES = 81
IMG_W = 1024.0
IMG_H = 1024.0
SCORE_THRESH = 0.05
NMS_THRESH = 0.5
DETS_PER_IMG = 100
WX, WY, WW, WH = 10.0, 10.0, 5.0, 5.0
BBOX_XFORM_CLIP = math.log(1000.0 / 16.0)


def setup_inputs(seed: int = 0) -> dict:
    key = jax.random.key(seed)
    k1, k2, k3, k4 = jax.random.split(key, 4)
    class_logits = jax.random.normal(k1, (N, NUM_CLASSES), dtype=jnp.float32) * 2.0
    box_regression = jax.random.normal(k2, (N, NUM_CLASSES * 4), dtype=jnp.float32) * 0.5
    ctr = jax.random.uniform(k3, (N, 2), minval=100.0, maxval=900.0)
    wh = jax.random.uniform(k4, (N, 2), minval=20.0, maxval=300.0)
    x1y1 = jnp.clip(ctr - wh / 2.0, 0.0, IMG_W - 1.0)
    x2y2 = jnp.clip(ctr + wh / 2.0, 0.0, IMG_W - 1.0)
    proposal_boxes = jnp.concatenate([x1y1, x2y2], axis=1).astype(jnp.float32)
    return {"class_logits": class_logits, "box_regression": box_regression, "proposal_boxes": proposal_boxes}


def decode(rel_codes, boxes):
    # BoxCoder.decode with weights (10, 10, 5, 5), maskrcnn-benchmark semantics (TO_REMOVE=1)
    TO_REMOVE = 1.0
    widths = boxes[:, 2] - boxes[:, 0] + TO_REMOVE
    heights = boxes[:, 3] - boxes[:, 1] + TO_REMOVE
    ctr_x = boxes[:, 0] + 0.5 * widths
    ctr_y = boxes[:, 1] + 0.5 * heights
    dx = rel_codes[:, 0::4] / WX
    dy = rel_codes[:, 1::4] / WY
    dw = rel_codes[:, 2::4] / WW
    dh = rel_codes[:, 3::4] / WH
    dw = jnp.minimum(dw, BBOX_XFORM_CLIP)
    dh = jnp.minimum(dh, BBOX_XFORM_CLIP)
    pred_ctr_x = dx * widths[:, None] + ctr_x[:, None]
    pred_ctr_y = dy * heights[:, None] + ctr_y[:, None]
    pred_w = jnp.exp(dw) * widths[:, None]
    pred_h = jnp.exp(dh) * heights[:, None]
    x1 = pred_ctr_x - 0.5 * pred_w
    y1 = pred_ctr_y - 0.5 * pred_h
    x2 = pred_ctr_x + 0.5 * pred_w - 1.0
    y2 = pred_ctr_y + 0.5 * pred_h - 1.0
    return jnp.stack([x1, y1, x2, y2], axis=2)  # [N, C, 4]


def clip_to_image(boxes):
    x1 = jnp.clip(boxes[..., 0], 0.0, IMG_W - 1.0)
    y1 = jnp.clip(boxes[..., 1], 0.0, IMG_H - 1.0)
    x2 = jnp.clip(boxes[..., 2], 0.0, IMG_W - 1.0)
    y2 = jnp.clip(boxes[..., 3], 0.0, IMG_H - 1.0)
    return jnp.stack([x1, y1, x2, y2], axis=-1)


def nms_one_class(boxes, scores):
    # boxes [N,4], scores [N]; greedy NMS over score-sorted boxes, fixed shapes
    n = boxes.shape[0]
    order = jnp.argsort(-scores)
    b = boxes[order]
    s = scores[order]
    valid = s > SCORE_THRESH
    bsg = jax.lax.stop_gradient(b)
    x1, y1, x2, y2 = bsg[:, 0], bsg[:, 1], bsg[:, 2], bsg[:, 3]
    areas = (x2 - x1 + 1.0) * (y2 - y1 + 1.0)
    idxs = jnp.arange(n)

    def body(i, keep):
        xx1 = jnp.maximum(x1[i], x1)
        yy1 = jnp.maximum(y1[i], y1)
        xx2 = jnp.minimum(x2[i], x2)
        yy2 = jnp.minimum(y2[i], y2)
        w = jnp.maximum(xx2 - xx1 + 1.0, 0.0)
        h = jnp.maximum(yy2 - yy1 + 1.0, 0.0)
        inter = w * h
        iou = inter / (areas[i] + areas - inter)
        suppress = (iou > NMS_THRESH) & (idxs > i) & keep[i]
        return keep & (~suppress)

    keep = jax.lax.fori_loop(0, n, body, valid)
    return b, s, keep


def reference(class_logits, box_regression, proposal_boxes):
    class_prob = jax.nn.softmax(class_logits, axis=-1)
    decoded = decode(box_regression, proposal_boxes)  # [N, C, 4]
    decoded = clip_to_image(decoded)
    boxes_c = jnp.transpose(decoded, (1, 0, 2))[1:]   # [C-1, N, 4] skip background
    scores_c = class_prob.T[1:]                        # [C-1, N]
    b_s, s_s, keep = jax.vmap(nms_one_class)(boxes_c, scores_c)
    sort_key = jnp.where(keep, s_s, -1.0)              # invalid/suppressed -> -1 sentinel
    labels = jnp.broadcast_to(jnp.arange(1, NUM_CLASSES)[:, None], sort_key.shape)
    key_flat = sort_key.reshape(-1)
    _, topi = jax.lax.top_k(key_flat, DETS_PER_IMG)    # keep top detections_per_img by score
    sel_valid = key_flat[topi] > 0.0
    out_boxes = b_s.reshape(-1, 4)[topi]
    out_scores = jnp.where(sel_valid, s_s.reshape(-1)[topi], 0.0)
    out_labels = jnp.where(sel_valid, labels.reshape(-1)[topi], 0)
    return out_boxes, out_scores, out_labels

if __name__ == "__main__":
    import jax
    _d = setup_inputs()
    print(jax.jit(kernel)(*tuple(_d.values())))

</pallas_src>

<mosaic_0001>
module attributes {stable_mosaic.version = 14 : i64} {
  func.func @_dense_body(%arg0: memref<1000x81xf32, #tpu.memory_space<vmem>>, %arg1: memref<1000x80xf32, #tpu.memory_space<vmem>>, %arg2: memref<1000x80xf32, #tpu.memory_space<vmem>>, %arg3: memref<1000x80xf32, #tpu.memory_space<vmem>>, %arg4: memref<1000x80xf32, #tpu.memory_space<vmem>>, %arg5: memref<1000x4xf32, #tpu.memory_space<vmem>>, %arg6: memref<1000x80xf32, #tpu.memory_space<vmem>>, %arg7: memref<1000x80xf32, #tpu.memory_space<vmem>>, %arg8: memref<1000x80xf32, #tpu.memory_space<vmem>>, %arg9: memref<1000x80xf32, #tpu.memory_space<vmem>>, %arg10: memref<1000x80xf32, #tpu.memory_space<vmem>>) attributes {dimension_semantics = [], scalar_prefetch = 0 : i64, scratch_operands = 0 : i64, tpu.core_type = #tpu.core_type<tc>} {
    %get3A = arith.constant 0 : index
    %get3A_0 = arith.constant 0 : index
    %get3A_1 = vector.load %arg0[%get3A, %get3A_0] : memref<1000x81xf32, #tpu.memory_space<vmem>>, vector<1000x81xf32>
    %reduce_max3A = arith.constant dense<0xFF800000> : vector<1000xf32>
    %reduce_max3A_2 = vector.multi_reduction <maximumf>, %get3A_1, %reduce_max3A [1] : vector<1000x81xf32> to vector<1000xf32>
    %broadcast_in_dim3A = vector.shape_cast %reduce_max3A_2 : vector<1000xf32> to vector<1000x1xf32>
    %sub3A = vector.broadcast %broadcast_in_dim3A : vector<1000x1xf32> to vector<1000x81xf32>
    %sub3A_3 = arith.subf %get3A_1, %sub3A : vector<1000x81xf32>
    %exp3A = math.exp %sub3A_3 : vector<1000x81xf32>
    %reduce_sum3A = arith.constant dense<0.000000e+00> : vector<1000xf32>
    %reduce_sum3A_4 = vector.multi_reduction <add>, %exp3A, %reduce_sum3A [1] : vector<1000x81xf32> to vector<1000xf32>
    %broadcast_in_dim3A_5 = vector.shape_cast %reduce_sum3A_4 : vector<1000xf32> to vector<1000x1xf32>
    %div3A = vector.broadcast %broadcast_in_dim3A_5 : vector<1000x1xf32> to vector<1000x81xf32>
    %div3A_6 = arith.divf %exp3A, %div3A : vector<1000x81xf32>
    %slice3A = vector.extract_strided_slice %div3A_6 {offsets = [0, 1], sizes = [1000, 80], strides = [1, 1]} : vector<1000x81xf32> to vector<1000x80xf32>
    %swap3A = arith.constant 0 : index
    %swap3A_7 = arith.constant 0 : index
    %swap3A_8 = vector.load %arg6[%swap3A, %swap3A_7] : memref<1000x80xf32, #tpu.memory_space<vmem>>, vector<1000x80xf32>
    tpu.vector_store %arg6[%swap3A, %swap3A_7], %slice3A {strides = array<i32>} : memref<1000x80xf32, #tpu.memory_space<vmem>>, vector<1000x80xf32>,
    %get3A_9 = arith.constant 0 : index
    %get3A_10 = arith.constant 0 : index
    %get3A_11 = vector.load %arg5[%get3A_9, %get3A_10] : memref<1000x4xf32, #tpu.memory_space<vmem>>, vector<1000x4xf32>
    %slice3A_12 = vector.extract_strided_slice %get3A_11 {offsets = [0, 2], sizes = [1000, 1], strides = [1, 1]} : vector<1000x4xf32> to vector<1000x1xf32>
    %slice3A_13 = vector.extract_strided_slice %get3A_11 {offsets = [0, 0], sizes = [1000, 1], strides = [1, 1]} : vector<1000x4xf32> to vector<1000x1xf32>
    %sub3A_14 = arith.subf %slice3A_12, %slice3A_13 : vector<1000x1xf32>
    %add3A = arith.constant 1.000000e+00 : f32
    %add3A_15 = vector.broadcast %add3A : f32 to vector<1000x1xf32>
    %add3A_16 = arith.addf %sub3A_14, %add3A_15 : vector<1000x1xf32>
    %slice3A_17 = vector.extract_strided_slice %get3A_11 {offsets = [0, 3], sizes = [1000, 1], strides = [1, 1]} : vector<1000x4xf32> to vector<1000x1xf32>
    %slice3A_18 = vector.extract_strided_slice %get3A_11 {offsets = [0, 1], sizes = [1000, 1], strides = [1, 1]} : vector<1000x4xf32> to vector<1000x1xf32>
    %sub3A_19 = arith.subf %slice3A_17, %slice3A_18 : vector<1000x1xf32>
    %add3A_20 = arith.constant 1.000000e+00 : f32
    %add3A_21 = vector.broadcast %add3A_20 : f32 to vector<1000x1xf32>
    %add3A_22 = arith.addf %sub3A_19, %add3A_21 : vector<1000x1xf32>
    %slice3A_23 = vector.extract_strided_slice %get3A_11 {offsets = [0, 0], sizes = [1000, 1], strides = [1, 1]} : vector<1000x4xf32> to vector<1000x1xf32>
    %mul3A = arith.constant 5.000000e-01 : f32
    %mul3A_24 = vector.broadcast %mul3A : f32 to vector<1000x1xf32>
    %mul3A_25 = arith.mulf %mul3A_24, %add3A_16 : vector<1000x1xf32>
    %add3A_26 = arith.addf %slice3A_23, %mul3A_25 : vector<1000x1xf32>
    %slice3A_27 = vector.extract_strided_slice %get3A_11 {offsets = [0, 1], sizes = [1000, 1], strides = [1, 1]} : vector<1000x4xf32> to vector<1000x1xf32>
    %mul3A_28 = arith.constant 5.000000e-01 : f32
    %mul3A_29 = vector.broadcast %mul3A_28 : f32 to vector<1000x1xf32>
    %mul3A_30 = arith.mulf %mul3A_29, %add3A_22 : vector<1000x1xf32>
    %add3A_31 = arith.addf %slice3A_27, %mul3A_30 : vector<1000x1xf32>
    %get3A_32 = arith.constant 0 : index
    %get3A_33 = arith.constant 0 : index
    %get3A_34 = vector.load %arg1[%get3A_32, %get3A_33] : memref<1000x80xf32, #tpu.memory_space<vmem>>, vector<1000x80xf32>
    %div3A_35 = arith.constant 1.000000e+01 : f32
    %div3A_36 = vector.broadcast %div3A_35 : f32 to vector<1000x80xf32>
    %div3A_37 = arith.divf %get3A_34, %div3A_36 : vector<1000x80xf32>
    %get3A_38 = arith.constant 0 : index
    %get3A_39 = arith.constant 0 : index
    %get3A_40 = vector.load %arg2[%get3A_38, %get3A_39] : memref<1000x80xf32, #tpu.memory_space<vmem>>, vector<1000x80xf32>
    %div3A_41 = arith.constant 1.000000e+01 : f32
    %div3A_42 = vector.broadcast %div3A_41 : f32 to vector<1000x80xf32>
    %div3A_43 = arith.divf %get3A_40, %div3A_42 : vector<1000x80xf32>
    %get3A_44 = arith.constant 0 : index
    %get3A_45 = arith.constant 0 : index
    %get3A_46 = vector.load %arg3[%get3A_44, %get3A_45] : memref<1000x80xf32, #tpu.memory_space<vmem>>, vector<1000x80xf32>
    %div3A_47 = arith.constant 5.000000e+00 : f32
    %div3A_48 = vector.broadcast %div3A_47 : f32 to vector<1000x80xf32>
    %div3A_49 = arith.divf %get3A_46, %div3A_48 : vector<1000x80xf32>
    %min3A = arith.constant 4.13516665 : f32
    %min3A_50 = vector.broadcast %min3A : f32 to vector<1000x80xf32>
    %min3A_51 = arith.minimumf %div3A_49, %min3A_50 : vector<1000x80xf32>
    %get3A_52 = arith.constant 0 : index
    %get3A_53 = arith.constant 0 : index
    %get3A_54 = vector.load %arg4[%get3A_52, %get3A_53] : memref<1000x80xf32, #tpu.memory_space<vmem>>, vector<1000x80xf32>
    %div3A_55 = arith.constant 5.000000e+00 : f32
    %div3A_56 = vector.broadcast %div3A_55 : f32 to vector<1000x80xf32>
    %div3A_57 = arith.divf %get3A_54, %div3A_56 : vector<1000x80xf32>
    %min3A_58 = arith.constant 4.13516665 : f32
    %min3A_59 = vector.broadcast %min3A_58 : f32 to vector<1000x80xf32>
    %min3A_60 = arith.minimumf %div3A_57, %min3A_59 : vector<1000x80xf32>
    %mul3A_61 = vector.broadcast %add3A_16 : vector<1000x1xf32> to vector<1000x80xf32>
    %mul3A_62 = arith.mulf %div3A_37, %mul3A_61 : vector<1000x80xf32>
    %add3A_63 = vector.broadcast %add3A_26 : vector<1000x1xf32> to vector<1000x80xf32>
    %add3A_64 = arith.addf %mul3A_62, %add3A_63 : vector<1000x80xf32>
    %mul3A_65 = vector.broadcast %add3A_22 : vector<1000x1xf32> to vector<1000x80xf32>
    %mul3A_66 = arith.mulf %div3A_43, %mul3A_65 : vector<1000x80xf32>
    %add3A_67 = vector.broadcast %add3A_31 : vector<1000x1xf32> to vector<1000x80xf32>
    %add3A_68 = arith.addf %mul3A_66, %add3A_67 : vector<1000x80xf32>
    %exp3A_69 = math.exp %min3A_51 : vector<1000x80xf32>
    %mul3A_70 = vector.broadcast %add3A_16 : vector<1000x1xf32> to vector<1000x80xf32>
    %mul3A_71 = arith.mulf %exp3A_69, %mul3A_70 : vector<1000x80xf32>
    %exp3A_72 = math.exp %min3A_60 : vector<1000x80xf32>
    %mul3A_73 = vector.broadcast %add3A_22 : vector<1000x1xf32> to vector<1000x80xf32>
    %mul3A_74 = arith.mulf %exp3A_72, %mul3A_73 : vector<1000x80xf32>
    %mul3A_75 = arith.constant 5.000000e-01 : f32
    %mul3A_76 = vector.broadcast %mul3A_75 : f32 to vector<1000x80xf32>
    %mul3A_77 = arith.mulf %mul3A_76, %mul3A_71 : vector<1000x80xf32>
    %sub3A_78 = arith.subf %add3A_64, %mul3A_77 : vector<1000x80xf32>
    %mul3A_79 = arith.constant 5.000000e-01 : f32
    %mul3A_80 = vector.broadcast %mul3A_79 : f32 to vector<1000x80xf32>
    %mul3A_81 = arith.mulf %mul3A_80, %mul3A_74 : vector<1000x80xf32>
    %sub3A_82 = arith.subf %add3A_68, %mul3A_81 : vector<1000x80xf32>
    %mul3A_83 = arith.constant 5.000000e-01 : f32
    %mul3A_84 = vector.broadcast %mul3A_83 : f32 to vector<1000x80xf32>
    %mul3A_85 = arith.mulf %mul3A_84, %mul3A_71 : vector<1000x80xf32>
    %add3A_86 = arith.addf %add3A_64, %mul3A_85 : vector<1000x80xf32>
    %sub3A_87 = arith.constant 1.000000e+00 : f32
    %sub3A_88 = vector.broadcast %sub3A_87 : f32 to vector<1000x80xf32>
    %sub3A_89 = arith.subf %add3A_86, %sub3A_88 : vector<1000x80xf32>
    %mul3A_90 = arith.constant 5.000000e-01 : f32
    %mul3A_91 = vector.broadcast %mul3A_90 : f32 to vector<1000x80xf32>
    %mul3A_92 = arith.mulf %mul3A_91, %mul3A_74 : vector<1000x80xf32>
    %add3A_93 = arith.addf %add3A_68, %mul3A_92 : vector<1000x80xf32>
    %sub3A_94 = arith.constant 1.000000e+00 : f32
    %sub3A_95 = vector.broadcast %sub3A_94 : f32 to vector<1000x80xf32>
    %sub3A_96 = arith.subf %add3A_93, %sub3A_95 : vector<1000x80xf32>
    %jit3A = arith.constant 0.000000e+00 : f32
    %jit3A_97 = arith.constant 1.023000e+03 : f32
    %max3A = vector.broadcast %jit3A : f32 to vector<1000x80xf32>
    %max3A_98 = arith.maximumf %max3A, %sub3A_78 : vector<1000x80xf32>
    %min3A_99 = vector.broadcast %jit3A_97 : f32 to vector<1000x80xf32>
    %min3A_100 = arith.minimumf %min3A_99, %max3A_98 : vector<1000x80xf32>
    %swap3A_101 = arith.constant 0 : index
    %swap3A_102 = arith.constant 0 : index
    %swap3A_103 = vector.load %arg7[%swap3A_101, %swap3A_102] : memref<1000x80xf32, #tpu.memory_space<vmem>>, vector<1000x80xf32>
    tpu.vector_store %arg7[%swap3A_101, %swap3A_102], %min3A_100 {strides = array<i32>} : memref<1000x80xf32, #tpu.memory_space<vmem>>, vector<1000x80xf32>,
    %jit3A_104 = arith.constant 0.000000e+00 : f32
    %jit3A_105 = arith.constant 1.023000e+03 : f32
    %max3A_106 = vector.broadcast %jit3A_104 : f32 to vector<1000x80xf32>
    %max3A_107 = arith.maximumf %max3A_106, %sub3A_82 : vector<1000x80xf32>
    %min3A_108 = vector.broadcast %jit3A_105 : f32 to vector<1000x80xf32>
    %min3A_109 = arith.minimumf %min3A_108, %max3A_107 : vector<1000x80xf32>
    %swap3A_110 = arith.constant 0 : index
    %swap3A_111 = arith.constant 0 : index
    %swap3A_112 = vector.load %arg8[%swap3A_110, %swap3A_111] : memref<1000x80xf32, #tpu.memory_space<vmem>>, vector<1000x80xf32>
    tpu.vector_store %arg8[%swap3A_110, %swap3A_111], %min3A_109 {strides = array<i32>} : memref<1000x80xf32, #tpu.memory_space<vmem>>, vector<1000x80xf32>,
    %jit3A_113 = arith.constant 0.000000e+00 : f32
    %jit3A_114 = arith.constant 1.023000e+03 : f32
    %max3A_115 = vector.broadcast %jit3A_113 : f32 to vector<1000x80xf32>
    %max3A_116 = arith.maximumf %max3A_115, %sub3A_89 : vector<1000x80xf32>
    %min3A_117 = vector.broadcast %jit3A_114 : f32 to vector<1000x80xf32>
    %min3A_118 = arith.minimumf %min3A_117, %max3A_116 : vector<1000x80xf32>
    %swap3A_119 = arith.constant 0 : index
    %swap3A_120 = arith.constant 0 : index
    %swap3A_121 = vector.load %arg9[%swap3A_119, %swap3A_120] : memref<1000x80xf32, #tpu.memory_space<vmem>>, vector<1000x80xf32>
    tpu.vector_store %arg9[%swap3A_119, %swap3A_120], %min3A_118 {strides = array<i32>} : memref<1000x80xf32, #tpu.memory_space<vmem>>, vector<1000x80xf32>,
    %jit3A_122 = arith.constant 0.000000e+00 : f32
    %jit3A_123 = arith.constant 1.023000e+03 : f32
    %max3A_124 = vector.broadcast %jit3A_122 : f32 to vector<1000x80xf32>
    %max3A_125 = arith.maximumf %max3A_124, %sub3A_96 : vector<1000x80xf32>
    %min3A_126 = vector.broadcast %jit3A_123 : f32 to vector<1000x80xf32>
    %min3A_127 = arith.minimumf %min3A_126, %max3A_125 : vector<1000x80xf32>
    %swap3A_128 = arith.constant 0 : index
    %swap3A_129 = arith.constant 0 : index
    %swap3A_130 = vector.load %arg10[%swap3A_128, %swap3A_129] : memref<1000x80xf32, #tpu.memory_space<vmem>>, vector<1000x80xf32>
    tpu.vector_store %arg10[%swap3A_128, %swap3A_129], %min3A_127 {strides = array<i32>} : memref<1000x80xf32, #tpu.memory_space<vmem>>, vector<1000x80xf32>,
    return
  }
}

module attributes {stable_mosaic.version = 14 : i64} {
  func.func @_nms_body(%arg0: memref<1024x80xf32, #tpu.memory_space<vmem>>, %arg1: memref<1024x80xf32, #tpu.memory_space<vmem>>, %arg2: memref<1024x80xf32, #tpu.memory_space<vmem>>, %arg3: memref<1024x80xf32, #tpu.memory_space<vmem>>, %arg4: memref<1024x80xf32, #tpu.memory_space<vmem>>, %arg5: memref<1024x80xf32, #tpu.memory_space<vmem>>, %arg6: memref<1024x80xf32, #tpu.memory_space<vmem>>, %arg7: memref<1024x80xf32, #tpu.memory_space<vmem>>) attributes {dimension_semantics = [], scalar_prefetch = 0 : i64, scratch_operands = 2 : i64, tpu.core_type = #tpu.core_type<tc>} {
    %get3A = arith.constant 0 : index
    %get3A_0 = arith.constant 0 : index
    %get3A_1 = vector.load %arg4[%get3A, %get3A_0] : memref<1024x80xf32, #tpu.memory_space<vmem>>, vector<1024x80xf32>
    %gt3A = arith.constant 5.000000e-02 : f32
    %gt3A_2 = vector.broadcast %gt3A : f32 to vector<1024x80xf32>
    %gt3A_3 = arith.cmpf ogt, %get3A_1, %gt3A_2 : vector<1024x80xf32>
    %convert_element_type3A = arith.extui %gt3A_3 : vector<1024x80xi1> to vector<1024x80xi32>
    %convert_element_type3A_4 = arith.sitofp %convert_element_type3A : vector<1024x80xi32> to vector<1024x80xf32>
    %swap3A = arith.constant 0 : index
    %swap3A_5 = arith.constant 0 : index
    %swap3A_6 = vector.load %arg6[%swap3A, %swap3A_5] : memref<1024x80xf32, #tpu.memory_space<vmem>>, vector<1024x80xf32>
    tpu.vector_store %arg6[%swap3A, %swap3A_5], %convert_element_type3A_4 {strides = array<i32>} : memref<1024x80xf32, #tpu.memory_space<vmem>>, vector<1024x80xf32>,
    %get3A_7 = arith.constant 0 : index
    %get3A_8 = arith.constant 0 : index
    %get3A_9 = vector.load %arg0[%get3A_7, %get3A_8] : memref<1024x80xf32, #tpu.memory_space<vmem>>, vector<1024x80xf32>
    %get3A_10 = arith.constant 0 : index
    %get3A_11 = arith.constant 0 : index
    %get3A_12 = vector.load %arg1[%get3A_10, %get3A_11] : memref<1024x80xf32, #tpu.memory_space<vmem>>, vector<1024x80xf32>
    %get3A_13 = arith.constant 0 : index
    %get3A_14 = arith.constant 0 : index
    %get3A_15 = vector.load %arg2[%get3A_13, %get3A_14] : memref<1024x80xf32, #tpu.memory_space<vmem>>, vector<1024x80xf32>
    %get3A_16 = arith.constant 0 : index
    %get3A_17 = arith.constant 0 : index
    %get3A_18 = vector.load %arg3[%get3A_16, %get3A_17] : memref<1024x80xf32, #tpu.memory_space<vmem>>, vector<1024x80xf32>
    %sub3A = arith.subf %get3A_15, %get3A_9 : vector<1024x80xf32>
    %add3A = arith.constant 1.000000e+00 : f32
    %add3A_19 = vector.broadcast %add3A : f32 to vector<1024x80xf32>
    %add3A_20 = arith.addf %sub3A, %add3A_19 : vector<1024x80xf32>
    %sub3A_21 = arith.subf %get3A_18, %get3A_12 : vector<1024x80xf32>
    %add3A_22 = arith.constant 1.000000e+00 : f32
    %add3A_23 = vector.broadcast %add3A_22 : f32 to vector<1024x80xf32>
    %add3A_24 = arith.addf %sub3A_21, %add3A_23 : vector<1024x80xf32>
    %mul3A = arith.mulf %add3A_20, %add3A_24 : vector<1024x80xf32>
    %swap3A_25 = arith.constant 0 : index
    %swap3A_26 = arith.constant 0 : index
    %swap3A_27 = vector.load %arg7[%swap3A_25, %swap3A_26] : memref<1024x80xf32, #tpu.memory_space<vmem>>, vector<1024x80xf32>
    tpu.vector_store %arg7[%swap3A_25, %swap3A_26], %mul3A {strides = array<i32>} : memref<1024x80xf32, #tpu.memory_space<vmem>>, vector<1024x80xf32>,
    %reduce_or3A = arith.constant 1.000000e+00 : f32
    %reduce_or3A_28 = arith.constant 0.000000e+00 : f32
    %reduce_or3A_29 = vector.broadcast %reduce_or3A : f32 to vector<1024x80xf32>
    %reduce_or3A_30 = vector.broadcast %reduce_or3A_28 : f32 to vector<1024x80xf32>
    %reduce_or3A_31 = arith.select %gt3A_3, %reduce_or3A_29, %reduce_or3A_30 : vector<1024x80xi1>, vector<1024x80xf32>
    %reduce_or3A_32 = arith.constant dense<0xFF800000> : vector<1024xf32>
    %reduce_or3A_33 = vector.multi_reduction <maximumf>, %reduce_or3A_31, %reduce_or3A_32 [1] : vector<1024x80xf32> to vector<1024xf32>
    %reduce_or3A_34 = arith.constant 0.000000e+00 : f32
    %reduce_or3A_35 = vector.broadcast %reduce_or3A_34 : f32 to vector<1024xf32>
    %reduce_or3A_36 = arith.cmpf ogt, %reduce_or3A_33, %reduce_or3A_35 : vector<1024xf32>
    %broadcast_in_dim3A = vector.shape_cast %reduce_or3A_36 : vector<1024xi1> to vector<1024x1xi1>
    %convert_element_type3A_37 = arith.extui %broadcast_in_dim3A : vector<1024x1xi1> to vector<1024x1xi32>
    %reduce_sum3A = vector.shape_cast %convert_element_type3A_37 : vector<1024x1xi32> to vector<1x1024x1xi32>
    %reduce_sum3A_38 = arith.constant dense<0> : vector<1xi32>
    %reduce_sum3A_39 = vector.multi_reduction <add>, %reduce_sum3A, %reduce_sum3A_38 [1, 2] : vector<1x1024x1xi32> to vector<1xi32>
    %reduce_sum3A_40 = vector.shape_cast %reduce_sum3A_39 : vector<1xi32> to vector<1x1x1xi32>
    %reduce_sum3A_41 = vector.extract %reduce_sum3A_40[0, 0, 0] : i32 from vector<1x1x1xi32>
    %add3A_42 = arith.constant 128 : i32
    %add3A_43 = arith.addi %reduce_sum3A_41, %add3A_42 : i32
    %sub3A_44 = arith.constant 1 : i32
    %sub3A_45 = arith.subi %add3A_43, %sub3A_44 : i32
    %jit3A = arith.constant 128 : i32
    %div3A = arith.divsi %sub3A_45, %jit3A : i32
    %sign3A = arith.constant 0 : i32
    %sign3A_46 = arith.cmpi sgt, %sub3A_45, %sign3A : i32
    %sign3A_47 = arith.extui %sign3A_46 : i1 to i32
    %sign3A_48 = arith.constant 0 : i32
    %sign3A_49 = arith.cmpi slt, %sub3A_45, %sign3A_48 : i32
    %sign3A_50 = arith.extui %sign3A_49 : i1 to i32
    %sign3A_51 = arith.subi %sign3A_47, %sign3A_50 : i32
    %sign3A_52 = arith.constant 0 : i32
    %sign3A_53 = arith.cmpi sgt, %jit3A, %sign3A_52 : i32
    %sign3A_54 = arith.extui %sign3A_53 : i1 to i32
    %sign3A_55 = arith.constant 0 : i32
    %sign3A_56 = arith.cmpi slt, %jit3A, %sign3A_55 : i32
    %sign3A_57 = arith.extui %sign3A_56 : i1 to i32
    %sign3A_58 = arith.subi %sign3A_54, %sign3A_57 : i32
    %ne3A = arith.cmpi ne, %sign3A_51, %sign3A_58 : i32
    %rem3A = arith.remsi %sub3A_45, %jit3A : i32
    %ne3A_59 = arith.constant 0 : i32
    %ne3A_60 = arith.cmpi ne, %rem3A, %ne3A_59 : i32
    %and3A = arith.andi %ne3A, %ne3A_60 : i1
    %sub3A_61 = arith.constant 1 : i32
    %sub3A_62 = arith.subi %div3A, %sub3A_61 : i32
    %select_n3A = arith.select %and3A, %sub3A_62, %div3A : i32
    %while3A = arith.constant 0 : i32
    %while3A_63 = arith.constant 0 : i32
    %while3A_64 = arith.subi %reduce_sum3A_41, %while3A_63 : i32
    %while3A_65 = arith.addi %while3A_63, %while3A_64 : i32
    %while3A_66 = arith.constant 1 : i32
    %while3A_67 = arith.divsi %while3A_64, %while3A_66 : i32
    %while3A_68 = arith.muli %while3A_67, %while3A_66 : i32
    %while3A_69 = arith.addi %while3A_63, %while3A_68 : i32
    %while3A_70 = arith.constant 1 : i32
    scf.for %while3A_84 = %while3A_63 to %while3A_69 step %while3A_70  : i32 {
      %get3A_85 = arith.index_cast %while3A_84 : i32 to index
      %get3A_86 = arith.constant 0 : index
      %get3A_87 = vector.load %arg6[%get3A_85, %get3A_86] : memref<1024x80xf32, #tpu.memory_space<vmem>>, vector<1x80xf32>
      %reduce_max3A = vector.shape_cast %get3A_87 : vector<1x80xf32> to vector<1x1x80xf32>
      %reduce_max3A_88 = arith.constant dense<0xFF800000> : vector<1xf32>
      %reduce_max3A_89 = vector.multi_reduction <maximumf>, %reduce_max3A, %reduce_max3A_88 [1, 2] : vector<1x1x80xf32> to vector<1xf32>
      %reduce_max3A_90 = vector.shape_cast %reduce_max3A_89 : vector<1xf32> to vector<1x1x1xf32>
      %reduce_max3A_91 = vector.extract %reduce_max3A_90[0, 0, 0] : f32 from vector<1x1x1xf32>
      %gt3A_92 = arith.constant 0.000000e+00 : f32
      %gt3A_93 = arith.cmpf ogt, %reduce_max3A_91, %gt3A_92 : f32
      %convert_element_type3A_94 = arith.extui %gt3A_93 : i1 to i32
      %cond3A = arith.constant 0 : i32
      %cond3A_95 = arith.cmpi ne, %convert_element_type3A_94, %cond3A : i32
      scf.if %cond3A_95 {
        %get3A_96 = arith.index_cast %while3A_84 : i32 to index
        %get3A_97 = arith.constant 0 : index
        %get3A_98 = vector.load %arg0[%get3A_96, %get3A_97] : memref<1024x80xf32, #tpu.memory_space<vmem>>, vector<1x80xf32>
        %get3A_99 = arith.index_cast %while3A_84 : i32 to index
        %get3A_100 = arith.constant 0 : index
        %get3A_101 = vector.load %arg1[%get3A_99, %get3A_100] : memref<1024x80xf32, #tpu.memory_space<vmem>>, vector<1x80xf32>
        %get3A_102 = arith.index_cast %while3A_84 : i32 to index
        %get3A_103 = arith.constant 0 : index
        %get3A_104 = vector.load %arg2[%get3A_102, %get3A_103] : memref<1024x80xf32, #tpu.memory_space<vmem>>, vector<1x80xf32>
        %get3A_105 = arith.index_cast %while3A_84 : i32 to index
        %get3A_106 = arith.constant 0 : index
        %get3A_107 = vector.load %arg3[%get3A_105, %get3A_106] : memref<1024x80xf32, #tpu.memory_space<vmem>>, vector<1x80xf32>
        %get3A_108 = arith.index_cast %while3A_84 : i32 to index
        %get3A_109 = arith.constant 0 : index
        %get3A_110 = vector.load %arg7[%get3A_108, %get3A_109] : memref<1024x80xf32, #tpu.memory_space<vmem>>, vector<1x80xf32>
        %jit3A_111 = arith.constant 128 : i32
        %div3A_112 = arith.divsi %while3A_84, %jit3A_111 : i32
        %sign3A_113 = arith.constant 0 : i32
        %sign3A_114 = arith.cmpi sgt, %while3A_84, %sign3A_113 : i32
        %sign3A_115 = arith.extui %sign3A_114 : i1 to i32
        %sign3A_116 = arith.constant 0 : i32
        %sign3A_117 = arith.cmpi slt, %while3A_84, %sign3A_116 : i32
        %sign3A_118 = arith.extui %sign3A_117 : i1 to i32
        %sign3A_119 = arith.subi %sign3A_115, %sign3A_118 : i32
        %sign3A_120 = arith.constant 0 : i32
        %sign3A_121 = arith.cmpi sgt, %jit3A_111, %sign3A_120 : i32
        %sign3A_122 = arith.extui %sign3A_121 : i1 to i32
        %sign3A_123 = arith.constant 0 : i32
        %sign3A_124 = arith.cmpi slt, %jit3A_111, %sign3A_123 : i32
        %sign3A_125 = arith.extui %sign3A_124 : i1 to i32
        %sign3A_126 = arith.subi %sign3A_122, %sign3A_125 : i32
        %ne3A_127 = arith.cmpi ne, %sign3A_119, %sign3A_126 : i32
        %rem3A_128 = arith.remsi %while3A_84, %jit3A_111 : i32
        %ne3A_129 = arith.constant 0 : i32
        %ne3A_130 = arith.cmpi ne, %rem3A_128, %ne3A_129 : i32
        %and3A_131 = arith.andi %ne3A_127, %ne3A_130 : i1
        %sub3A_132 = arith.constant 1 : i32
        %sub3A_133 = arith.subi %div3A_112, %sub3A_132 : i32
        %select_n3A_134 = arith.select %and3A_131, %sub3A_133, %div3A_112 : i32
        %while3A_135 = arith.constant 0 : i32
        %while3A_136 = arith.subi %select_n3A, %select_n3A_134 : i32
        %while3A_137 = arith.addi %select_n3A_134, %while3A_136 : i32
        %while3A_138 = arith.constant 1 : i32
        %while3A_139 = arith.divsi %while3A_136, %while3A_138 : i32
        %while3A_140 = arith.muli %while3A_139, %while3A_138 : i32
        %while3A_141 = arith.addi %select_n3A_134, %while3A_140 : i32
        %while3A_142 = arith.constant 1 : i32
        scf.for %while3A_144 = %select_n3A_134 to %while3A_141 step %while3A_142  : i32 {
          %mul3A_145 = arith.constant 128 : i32
          %mul3A_146 = arith.muli %while3A_144, %mul3A_145 : i32
          %get3A_147 = arith.index_cast %mul3A_146 : i32 to index
          %get3A_148 = arith.constant 0 : index
          %get3A_149 = vector.load %arg0[%get3A_147, %get3A_148] : memref<1024x80xf32, #tpu.memory_space<vmem>>, vector<128x80xf32>
          %get3A_150 = arith.index_cast %mul3A_146 : i32 to index
          %get3A_151 = arith.constant 0 : index
          %get3A_152 = vector.load %arg1[%get3A_150, %get3A_151] : memref<1024x80xf32, #tpu.memory_space<vmem>>, vector<128x80xf32>
          %get3A_153 = arith.index_cast %mul3A_146 : i32 to index
          %get3A_154 = arith.constant 0 : index
          %get3A_155 = vector.load %arg2[%get3A_153, %get3A_154] : memref<1024x80xf32, #tpu.memory_space<vmem>>, vector<128x80xf32>
          %get3A_156 = arith.index_cast %mul3A_146 : i32 to index
          %get3A_157 = arith.constant 0 : index
          %get3A_158 = vector.load %arg3[%get3A_156, %get3A_157] : memref<1024x80xf32, #tpu.memory_space<vmem>>, vector<128x80xf32>
          %get3A_159 = arith.index_cast %mul3A_146 : i32 to index
          %get3A_160 = arith.constant 0 : index
          %get3A_161 = vector.load %arg7[%get3A_159, %get3A_160] : memref<1024x80xf32, #tpu.memory_space<vmem>>, vector<128x80xf32>
          %max3A = vector.broadcast %get3A_98 : vector<1x80xf32> to vector<128x80xf32>
          %max3A_162 = arith.maximumf %max3A, %get3A_149 : vector<128x80xf32>
          %max3A_163 = vector.broadcast %get3A_101 : vector<1x80xf32> to vector<128x80xf32>
          %max3A_164 = arith.maximumf %max3A_163, %get3A_152 : vector<128x80xf32>
          %min3A = vector.broadcast %get3A_104 : vector<1x80xf32> to vector<128x80xf32>
          %min3A_165 = arith.minimumf %min3A, %get3A_155 : vector<128x80xf32>
          %min3A_166 = vector.broadcast %get3A_107 : vector<1x80xf32> to vector<128x80xf32>
          %min3A_167 = arith.minimumf %min3A_166, %get3A_158 : vector<128x80xf32>
          %sub3A_168 = arith.subf %min3A_165, %max3A_162 : vector<128x80xf32>
          %add3A_169 = arith.constant 1.000000e+00 : f32
          %add3A_170 = vector.broadcast %add3A_169 : f32 to vector<128x80xf32>
          %add3A_171 = arith.addf %sub3A_168, %add3A_170 : vector<128x80xf32>
          %max3A_172 = arith.constant 0.000000e+00 : f32
          %max3A_173 = vector.broadcast %max3A_172 : f32 to vector<128x80xf32>
          %max3A_174 = arith.maximumf %add3A_171, %max3A_173 : vector<128x80xf32>
          %sub3A_175 = arith.subf %min3A_167, %max3A_164 : vector<128x80xf32>
          %add3A_176 = arith.constant 1.000000e+00 : f32
          %add3A_177 = vector.broadcast %add3A_176 : f32 to vector<128x80xf32>
          %add3A_178 = arith.addf %sub3A_175, %add3A_177 : vector<128x80xf32>
          %max3A_179 = arith.constant 0.000000e+00 : f32
          %max3A_180 = vector.broadcast %max3A_179 : f32 to vector<128x80xf32>
          %max3A_181 = arith.maximumf %add3A_178, %max3A_180 : vector<128x80xf32>
          %mul3A_182 = arith.mulf %max3A_174, %max3A_181 : vector<128x80xf32>
          %add3A_183 = vector.broadcast %get3A_110 : vector<1x80xf32> to vector<128x80xf32>
          %add3A_184 = arith.addf %add3A_183, %get3A_161 : vector<128x80xf32>
          %sub3A_185 = arith.subf %add3A_184, %mul3A_182 : vector<128x80xf32>
          %div3A_186 = arith.divf %mul3A_182, %sub3A_185 : vector<128x80xf32>
          %iota3A = tpu.iota {dimensions = array<i32: 0>} : vector<128x80xi32>
          %add3A_187 = vector.broadcast %mul3A_146 : i32 to vector<128x80xi32>
          %add3A_188 = arith.addi %add3A_187, %iota3A : vector<128x80xi32>
          %gt3A_189 = arith.constant 5.000000e-01 : f32
          %gt3A_190 = vector.broadcast %gt3A_189 : f32 to vector<128x80xf32>
          %gt3A_191 = arith.cmpf ogt, %div3A_186, %gt3A_190 : vector<128x80xf32>
          %gt3A_192 = vector.broadcast %while3A_84 : i32 to vector<128x80xi32>
          %gt3A_193 = arith.cmpi sgt, %add3A_188, %gt3A_192 : vector<128x80xi32>
          %and3A_194 = arith.andi %gt3A_191, %gt3A_193 : vector<128x80xi1>
          %gt3A_195 = arith.constant 0.000000e+00 : f32
          %gt3A_196 = vector.broadcast %gt3A_195 : f32 to vector<1x80xf32>
          %gt3A_197 = arith.cmpf ogt, %get3A_87, %gt3A_196 : vector<1x80xf32>
          %and3A_198 = vector.broadcast %gt3A_197 : vector<1x80xi1> to vector<128x80xi1>
          %and3A_199 = arith.andi %and3A_194, %and3A_198 : vector<128x80xi1>
          %get3A_200 = arith.index_cast %mul3A_146 : i32 to index
          %get3A_201 = arith.constant 0 : index
          %get3A_202 = vector.load %arg6[%get3A_200, %get3A_201] : memref<1024x80xf32, #tpu.memory_space<vmem>>, vector<128x80xf32>
          %jit3A_203 = arith.constant 0.000000e+00 : f32
          %broadcast_in_dim3A_204 = vector.broadcast %jit3A_203 : f32 to vector<128x80xf32>
          %select_n3A_205 = arith.select %and3A_199, %broadcast_in_dim3A_204, %get3A_202 : vector<128x80xi1>, vector<128x80xf32>
          %swap3A_206 = arith.index_cast %mul3A_146 : i32 to index
          %swap3A_207 = arith.constant 0 : index
          %swap3A_208 = vector.load %arg6[%swap3A_206, %swap3A_207] : memref<1024x80xf32, #tpu.memory_space<vmem>>, vector<128x80xf32>
          tpu.vector_store %arg6[%swap3A_206, %swap3A_207], %select_n3A_205 {strides = array<i32>} : memref<1024x80xf32, #tpu.memory_space<vmem>>, vector<128x80xf32>,
        }
        %while3A_143 = arith.constant 1 : i32
        scf.for %while3A_144 = %while3A_141 to %while3A_137 step %while3A_143  : i32 {
          %mul3A_145 = arith.constant 128 : i32
          %mul3A_146 = arith.muli %while3A_144, %mul3A_145 : i32
          %get3A_147 = arith.index_cast %mul3A_146 : i32 to index
          %get3A_148 = arith.constant 0 : index
          %get3A_149 = vector.load %arg0[%get3A_147, %get3A_148] : memref<1024x80xf32, #tpu.memory_space<vmem>>, vector<128x80xf32>
          %get3A_150 = arith.index_cast %mul3A_146 : i32 to index
          %get3A_151 = arith.constant 0 : index
          %get3A_152 = vector.load %arg1[%get3A_150, %get3A_151] : memref<1024x80xf32, #tpu.memory_space<vmem>>, vector<128x80xf32>
          %get3A_153 = arith.index_cast %mul3A_146 : i32 to index
          %get3A_154 = arith.constant 0 : index
          %get3A_155 = vector.load %arg2[%get3A_153, %get3A_154] : memref<1024x80xf32, #tpu.memory_space<vmem>>, vector<128x80xf32>
          %get3A_156 = arith.index_cast %mul3A_146 : i32 to index
          %get3A_157 = arith.constant 0 : index
          %get3A_158 = vector.load %arg3[%get3A_156, %get3A_157] : memref<1024x80xf32, #tpu.memory_space<vmem>>, vector<128x80xf32>
          %get3A_159 = arith.index_cast %mul3A_146 : i32 to index
          %get3A_160 = arith.constant 0 : index
          %get3A_161 = vector.load %arg7[%get3A_159, %get3A_160] : memref<1024x80xf32, #tpu.memory_space<vmem>>, vector<128x80xf32>
          %max3A = vector.broadcast %get3A_98 : vector<1x80xf32> to vector<128x80xf32>
          %max3A_162 = arith.maximumf %max3A, %get3A_149 : vector<128x80xf32>
          %max3A_163 = vector.broadcast %get3A_101 : vector<1x80xf32> to vector<128x80xf32>
          %max3A_164 = arith.maximumf %max3A_163, %get3A_152 : vector<128x80xf32>
          %min3A = vector.broadcast %get3A_104 : vector<1x80xf32> to vector<128x80xf32>
          %min3A_165 = arith.minimumf %min3A, %get3A_155 : vector<128x80xf32>
          %min3A_166 = vector.broadcast %get3A_107 : vector<1x80xf32> to vector<128x80xf32>
          %min3A_167 = arith.minimumf %min3A_166, %get3A_158 : vector<128x80xf32>
          %sub3A_168 = arith.subf %min3A_165, %max3A_162 : vector<128x80xf32>
          %add3A_169 = arith.constant 1.000000e+00 : f32
          %add3A_170 = vector.broadcast %add3A_169 : f32 to vector<128x80xf32>
          %add3A_171 = arith.addf %sub3A_168, %add3A_170 : vector<128x80xf32>
          %max3A_172 = arith.constant 0.000000e+00 : f32
          %max3A_173 = vector.broadcast %max3A_172 : f32 to vector<128x80xf32>
          %max3A_174 = arith.maximumf %add3A_171, %max3A_173 : vector<128x80xf32>
          %sub3A_175 = arith.subf %min3A_167, %max3A_164 : vector<128x80xf32>
          %add3A_176 = arith.constant 1.000000e+00 : f32
          %add3A_177 = vector.broadcast %add3A_176 : f32 to vector<128x80xf32>
          %add3A_178 = arith.addf %sub3A_175, %add3A_177 : vector<128x80xf32>
          %max3A_179 = arith.constant 0.000000e+00 : f32
          %max3A_180 = vector.broadcast %max3A_179 : f32 to vector<128x80xf32>
          %max3A_181 = arith.maximumf %add3A_178, %max3A_180 : vector<128x80xf32>
          %mul3A_182 = arith.mulf %max3A_174, %max3A_181 : vector<128x80xf32>
          %add3A_183 = vector.broadcast %get3A_110 : vector<1x80xf32> to vector<128x80xf32>
          %add3A_184 = arith.addf %add3A_183, %get3A_161 : vector<128x80xf32>
          %sub3A_185 = arith.subf %add3A_184, %mul3A_182 : vector<128x80xf32>
          %div3A_186 = arith.divf %mul3A_182, %sub3A_185 : vector<128x80xf32>
          %iota3A = tpu.iota {dimensions = array<i32: 0>} : vector<128x80xi32>
          %add3A_187 = vector.broadcast %mul3A_146 : i32 to vector<128x80xi32>
          %add3A_188 = arith.addi %add3A_187, %iota3A : vector<128x80xi32>
          %gt3A_189 = arith.constant 5.000000e-01 : f32
          %gt3A_190 = vector.broadcast %gt3A_189 : f32 to vector<128x80xf32>
          %gt3A_191 = arith.cmpf ogt, %div3A_186, %gt3A_190 : vector<128x80xf32>
          %gt3A_192 = vector.broadcast %while3A_84 : i32 to vector<128x80xi32>
          %gt3A_193 = arith.cmpi sgt, %add3A_188, %gt3A_192 : vector<128x80xi32>
          %and3A_194 = arith.andi %gt3A_191, %gt3A_193 : vector<128x80xi1>
          %gt3A_195 = arith.constant 0.000000e+00 : f32
          %gt3A_196 = vector.broadcast %gt3A_195 : f32 to vector<1x80xf32>
          %gt3A_197 = arith.cmpf ogt, %get3A_87, %gt3A_196 : vector<1x80xf32>
          %and3A_198 = vector.broadcast %gt3A_197 : vector<1x80xi1> to vector<128x80xi1>
          %and3A_199 = arith.andi %and3A_194, %and3A_198 : vector<128x80xi1>
          %get3A_200 = arith.index_cast %mul3A_146 : i32 to index
          %get3A_201 = arith.constant 0 : index
          %get3A_202 = vector.load %arg6[%get3A_200, %get3A_201] : memref<1024x80xf32, #tpu.memory_space<vmem>>, vector<128x80xf32>
          %jit3A_203 = arith.constant 0.000000e+00 : f32
          %broadcast_in_dim3A_204 = vector.broadcast %jit3A_203 : f32 to vector<128x80xf32>
          %select_n3A_205 = arith.select %and3A_199, %broadcast_in_dim3A_204, %get3A_202 : vector<128x80xi1>, vector<128x80xf32>
          %swap3A_206 = arith.index_cast %mul3A_146 : i32 to index
          %swap3A_207 = arith.constant 0 : index
          %swap3A_208 = vector.load %arg6[%swap3A_206, %swap3A_207] : memref<1024x80xf32, #tpu.memory_space<vmem>>, vector<128x80xf32>
          tpu.vector_store %arg6[%swap3A_206, %swap3A_207], %select_n3A_205 {strides = array<i32>} : memref<1024x80xf32, #tpu.memory_space<vmem>>, vector<128x80xf32>,
        }
      } else {
      }
    }
    %while3A_71 = arith.constant 1 : i32
    scf.for %while3A_84 = %while3A_69 to %while3A_65 step %while3A_71  : i32 {
      %get3A_85 = arith.index_cast %while3A_84 : i32 to index
      %get3A_86 = arith.constant 0 : index
      %get3A_87 = vector.load %arg6[%get3A_85, %get3A_86] : memref<1024x80xf32, #tpu.memory_space<vmem>>, vector<1x80xf32>
      %reduce_max3A = vector.shape_cast %get3A_87 : vector<1x80xf32> to vector<1x1x80xf32>
      %reduce_max3A_88 = arith.constant dense<0xFF800000> : vector<1xf32>
      %reduce_max3A_89 = vector.multi_reduction <maximumf>, %reduce_max3A, %reduce_max3A_88 [1, 2] : vector<1x1x80xf32> to vector<1xf32>
      %reduce_max3A_90 = vector.shape_cast %reduce_max3A_89 : vector<1xf32> to vector<1x1x1xf32>
      %reduce_max3A_91 = vector.extract %reduce_max3A_90[0, 0, 0] : f32 from vector<1x1x1xf32>
      %gt3A_92 = arith.constant 0.000000e+00 : f32
      %gt3A_93 = arith.cmpf ogt, %reduce_max3A_91, %gt3A_92 : f32
      %convert_element_type3A_94 = arith.extui %gt3A_93 : i1 to i32
      %cond3A = arith.constant 0 : i32
      %cond3A_95 = arith.cmpi ne, %convert_element_type3A_94, %cond3A : i32
      scf.if %cond3A_95 {
        %get3A_96 = arith.index_cast %while3A_84 : i32 to index
        %get3A_97 = arith.constant 0 : index
        %get3A_98 = vector.load %arg0[%get3A_96, %get3A_97] : memref<1024x80xf32, #tpu.memory_space<vmem>>, vector<1x80xf32>
        %get3A_99 = arith.index_cast %while3A_84 : i32 to index
        %get3A_100 = arith.constant 0 : index
        %get3A_101 = vector.load %arg1[%get3A_99, %get3A_100] : memref<1024x80xf32, #tpu.memory_space<vmem>>, vector<1x80xf32>
        %get3A_102 = arith.index_cast %while3A_84 : i32 to index
        %get3A_103 = arith.constant 0 : index
        %get3A_104 = vector.load %arg2[%get3A_102, %get3A_103] : memref<1024x80xf32, #tpu.memory_space<vmem>>, vector<1x80xf32>
        %get3A_105 = arith.index_cast %while3A_84 : i32 to index
        %get3A_106 = arith.constant 0 : index
        %get3A_107 = vector.load %arg3[%get3A_105, %get3A_106] : memref<1024x80xf32, #tpu.memory_space<vmem>>, vector<1x80xf32>
        %get3A_108 = arith.index_cast %while3A_84 : i32 to index
        %get3A_109 = arith.constant 0 : index
        %get3A_110 = vector.load %arg7[%get3A_108, %get3A_109] : memref<1024x80xf32, #tpu.memory_space<vmem>>, vector<1x80xf32>
        %jit3A_111 = arith.constant 128 : i32
        %div3A_112 = arith.divsi %while3A_84, %jit3A_111 : i32
        %sign3A_113 = arith.constant 0 : i32
        %sign3A_114 = arith.cmpi sgt, %while3A_84, %sign3A_113 : i32
        %sign3A_115 = arith.extui %sign3A_114 : i1 to i32
        %sign3A_116 = arith.constant 0 : i32
        %sign3A_117 = arith.cmpi slt, %while3A_84, %sign3A_116 : i32
        %sign3A_118 = arith.extui %sign3A_117 : i1 to i32
        %sign3A_119 = arith.subi %sign3A_115, %sign3A_118 : i32
        %sign3A_120 = arith.constant 0 : i32
        %sign3A_121 = arith.cmpi sgt, %jit3A_111, %sign3A_120 : i32
        %sign3A_122 = arith.extui %sign3A_121 : i1 to i32
        %sign3A_123 = arith.constant 0 : i32
        %sign3A_124 = arith.cmpi slt, %jit3A_111, %sign3A_123 : i32
        %sign3A_125 = arith.extui %sign3A_124 : i1 to i32
        %sign3A_126 = arith.subi %sign3A_122, %sign3A_125 : i32
        %ne3A_127 = arith.cmpi ne, %sign3A_119, %sign3A_126 : i32
        %rem3A_128 = arith.remsi %while3A_84, %jit3A_111 : i32
        %ne3A_129 = arith.constant 0 : i32
        %ne3A_130 = arith.cmpi ne, %rem3A_128, %ne3A_129 : i32
        %and3A_131 = arith.andi %ne3A_127, %ne3A_130 : i1
        %sub3A_132 = arith.constant 1 : i32
        %sub3A_133 = arith.subi %div3A_112, %sub3A_132 : i32
        %select_n3A_134 = arith.select %and3A_131, %sub3A_133, %div3A_112 : i32
        %while3A_135 = arith.constant 0 : i32
        %while3A_136 = arith.subi %select_n3A, %select_n3A_134 : i32
        %while3A_137 = arith.addi %select_n3A_134, %while3A_136 : i32
        %while3A_138 = arith.constant 1 : i32
        %while3A_139 = arith.divsi %while3A_136, %while3A_138 : i32
        %while3A_140 = arith.muli %while3A_139, %while3A_138 : i32
        %while3A_141 = arith.addi %select_n3A_134, %while3A_140 : i32
        %while3A_142 = arith.constant 1 : i32
        scf.for %while3A_144 = %select_n3A_134 to %while3A_141 step %while3A_142  : i32 {
          %mul3A_145 = arith.constant 128 : i32
          %mul3A_146 = arith.muli %while3A_144, %mul3A_145 : i32
          %get3A_147 = arith.index_cast %mul3A_146 : i32 to index
          %get3A_148 = arith.constant 0 : index
          %get3A_149 = vector.load %arg0[%get3A_147, %get3A_148] : memref<1024x80xf32, #tpu.memory_space<vmem>>, vector<128x80xf32>
          %get3A_150 = arith.index_cast %mul3A_146 : i32 to index
          %get3A_151 = arith.constant 0 : index
          %get3A_152 = vector.load %arg1[%get3A_150, %get3A_151] : memref<1024x80xf32, #tpu.memory_space<vmem>>, vector<128x80xf32>
          %get3A_153 = arith.index_cast %mul3A_146 : i32 to index
          %get3A_154 = arith.constant 0 : index
          %get3A_155 = vector.load %arg2[%get3A_153, %get3A_154] : memref<1024x80xf32, #tpu.memory_space<vmem>>, vector<128x80xf32>
          %get3A_156 = arith.index_cast %mul3A_146 : i32 to index
          %get3A_157 = arith.constant 0 : index
          %get3A_158 = vector.load %arg3[%get3A_156, %get3A_157] : memref<1024x80xf32, #tpu.memory_space<vmem>>, vector<128x80xf32>
          %get3A_159 = arith.index_cast %mul3A_146 : i32 to index
          %get3A_160 = arith.constant 0 : index
          %get3A_161 = vector.load %arg7[%get3A_159, %get3A_160] : memref<1024x80xf32, #tpu.memory_space<vmem>>, vector<128x80xf32>
          %max3A = vector.broadcast %get3A_98 : vector<1x80xf32> to vector<128x80xf32>
          %max3A_162 = arith.maximumf %max3A, %get3A_149 : vector<128x80xf32>
          %max3A_163 = vector.broadcast %get3A_101 : vector<1x80xf32> to vector<128x80xf32>
          %max3A_164 = arith.maximumf %max3A_163, %get3A_152 : vector<128x80xf32>
          %min3A = vector.broadcast %get3A_104 : vector<1x80xf32> to vector<128x80xf32>
          %min3A_165 = arith.minimumf %min3A, %get3A_155 : vector<128x80xf32>
          %min3A_166 = vector.broadcast %get3A_107 : vector<1x80xf32> to vector<128x80xf32>
          %min3A_167 = arith.minimumf %min3A_166, %get3A_158 : vector<128x80xf32>
          %sub3A_168 = arith.subf %min3A_165, %max3A_162 : vector<128x80xf32>
          %add3A_169 = arith.constant 1.000000e+00 : f32
          %add3A_170 = vector.broadcast %add3A_169 : f32 to vector<128x80xf32>
          %add3A_171 = arith.addf %sub3A_168, %add3A_170 : vector<128x80xf32>
          %max3A_172 = arith.constant 0.000000e+00 : f32
          %max3A_173 = vector.broadcast %max3A_172 : f32 to vector<128x80xf32>
          %max3A_174 = arith.maximumf %add3A_171, %max3A_173 : vector<128x80xf32>
          %sub3A_175 = arith.subf %min3A_167, %max3A_164 : vector<128x80xf32>
          %add3A_176 = arith.constant 1.000000e+00 : f32
          %add3A_177 = vector.broadcast %add3A_176 : f32 to vector<128x80xf32>
          %add3A_178 = arith.addf %sub3A_175, %add3A_177 : vector<128x80xf32>
          %max3A_179 = arith.constant 0.000000e+00 : f32
          %max3A_180 = vector.broadcast %max3A_179 : f32 to vector<128x80xf32>
          %max3A_181 = arith.maximumf %add3A_178, %max3A_180 : vector<128x80xf32>
          %mul3A_182 = arith.mulf %max3A_174, %max3A_181 : vector<128x80xf32>
          %add3A_183 = vector.broadcast %get3A_110 : vector<1x80xf32> to vector<128x80xf32>
          %add3A_184 = arith.addf %add3A_183, %get3A_161 : vector<128x80xf32>
          %sub3A_185 = arith.subf %add3A_184, %mul3A_182 : vector<128x80xf32>
          %div3A_186 = arith.divf %mul3A_182, %sub3A_185 : vector<128x80xf32>
          %iota3A = tpu.iota {dimensions = array<i32: 0>} : vector<128x80xi32>
          %add3A_187 = vector.broadcast %mul3A_146 : i32 to vector<128x80xi32>
          %add3A_188 = arith.addi %add3A_187, %iota3A : vector<128x80xi32>
          %gt3A_189 = arith.constant 5.000000e-01 : f32
          %gt3A_190 = vector.broadcast %gt3A_189 : f32 to vector<128x80xf32>
          %gt3A_191 = arith.cmpf ogt, %div3A_186, %gt3A_190 : vector<128x80xf32>
          %gt3A_192 = vector.broadcast %while3A_84 : i32 to vector<128x80xi32>
          %gt3A_193 = arith.cmpi sgt, %add3A_188, %gt3A_192 : vector<128x80xi32>
          %and3A_194 = arith.andi %gt3A_191, %gt3A_193 : vector<128x80xi1>
          %gt3A_195 = arith.constant 0.000000e+00 : f32
          %gt3A_196 = vector.broadcast %gt3A_195 : f32 to vector<1x80xf32>
          %gt3A_197 = arith.cmpf ogt, %get3A_87, %gt3A_196 : vector<1x80xf32>
          %and3A_198 = vector.broadcast %gt3A_197 : vector<1x80xi1> to vector<128x80xi1>
          %and3A_199 = arith.andi %and3A_194, %and3A_198 : vector<128x80xi1>
          %get3A_200 = arith.index_cast %mul3A_146 : i32 to index
          %get3A_201 = arith.constant 0 : index
          %get3A_202 = vector.load %arg6[%get3A_200, %get3A_201] : memref<1024x80xf32, #tpu.memory_space<vmem>>, vector<128x80xf32>
          %jit3A_203 = arith.constant 0.000000e+00 : f32
          %broadcast_in_dim3A_204 = vector.broadcast %jit3A_203 : f32 to vector<128x80xf32>
          %select_n3A_205 = arith.select %and3A_199, %broadcast_in_dim3A_204, %get3A_202 : vector<128x80xi1>, vector<128x80xf32>
          %swap3A_206 = arith.index_cast %mul3A_146 : i32 to index
          %swap3A_207 = arith.constant 0 : index
          %swap3A_208 = vector.load %arg6[%swap3A_206, %swap3A_207] : memref<1024x80xf32, #tpu.memory_space<vmem>>, vector<128x80xf32>
          tpu.vector_store %arg6[%swap3A_206, %swap3A_207], %select_n3A_205 {strides = array<i32>} : memref<1024x80xf32, #tpu.memory_space<vmem>>, vector<128x80xf32>,
        }
        %while3A_143 = arith.constant 1 : i32
        scf.for %while3A_144 = %while3A_141 to %while3A_137 step %while3A_143  : i32 {
          %mul3A_145 = arith.constant 128 : i32
          %mul3A_146 = arith.muli %while3A_144, %mul3A_145 : i32
          %get3A_147 = arith.index_cast %mul3A_146 : i32 to index
          %get3A_148 = arith.constant 0 : index
          %get3A_149 = vector.load %arg0[%get3A_147, %get3A_148] : memref<1024x80xf32, #tpu.memory_space<vmem>>, vector<128x80xf32>
          %get3A_150 = arith.index_cast %mul3A_146 : i32 to index
          %get3A_151 = arith.constant 0 : index
          %get3A_152 = vector.load %arg1[%get3A_150, %get3A_151] : memref<1024x80xf32, #tpu.memory_space<vmem>>, vector<128x80xf32>
          %get3A_153 = arith.index_cast %mul3A_146 : i32 to index
          %get3A_154 = arith.constant 0 : index
          %get3A_155 = vector.load %arg2[%get3A_153, %get3A_154] : memref<1024x80xf32, #tpu.memory_space<vmem>>, vector<128x80xf32>
          %get3A_156 = arith.index_cast %mul3A_146 : i32 to index
          %get3A_157 = arith.constant 0 : index
          %get3A_158 = vector.load %arg3[%get3A_156, %get3A_157] : memref<1024x80xf32, #tpu.memory_space<vmem>>, vector<128x80xf32>
          %get3A_159 = arith.index_cast %mul3A_146 : i32 to index
          %get3A_160 = arith.constant 0 : index
          %get3A_161 = vector.load %arg7[%get3A_159, %get3A_160] : memref<1024x80xf32, #tpu.memory_space<vmem>>, vector<128x80xf32>
          %max3A = vector.broadcast %get3A_98 : vector<1x80xf32> to vector<128x80xf32>
          %max3A_162 = arith.maximumf %max3A, %get3A_149 : vector<128x80xf32>
          %max3A_163 = vector.broadcast %get3A_101 : vector<1x80xf32> to vector<128x80xf32>
          %max3A_164 = arith.maximumf %max3A_163, %get3A_152 : vector<128x80xf32>
          %min3A = vector.broadcast %get3A_104 : vector<1x80xf32> to vector<128x80xf32>
          %min3A_165 = arith.minimumf %min3A, %get3A_155 : vector<128x80xf32>
          %min3A_166 = vector.broadcast %get3A_107 : vector<1x80xf32> to vector<128x80xf32>
          %min3A_167 = arith.minimumf %min3A_166, %get3A_158 : vector<128x80xf32>
          %sub3A_168 = arith.subf %min3A_165, %max3A_162 : vector<128x80xf32>
          %add3A_169 = arith.constant 1.000000e+00 : f32
          %add3A_170 = vector.broadcast %add3A_169 : f32 to vector<128x80xf32>
          %add3A_171 = arith.addf %sub3A_168, %add3A_170 : vector<128x80xf32>
          %max3A_172 = arith.constant 0.000000e+00 : f32
          %max3A_173 = vector.broadcast %max3A_172 : f32 to vector<128x80xf32>
          %max3A_174 = arith.maximumf %add3A_171, %max3A_173 : vector<128x80xf32>
          %sub3A_175 = arith.subf %min3A_167, %max3A_164 : vector<128x80xf32>
          %add3A_176 = arith.constant 1.000000e+00 : f32
          %add3A_177 = vector.broadcast %add3A_176 : f32 to vector<128x80xf32>
          %add3A_178 = arith.addf %sub3A_175, %add3A_177 : vector<128x80xf32>
          %max3A_179 = arith.constant 0.000000e+00 : f32
          %max3A_180 = vector.broadcast %max3A_179 : f32 to vector<128x80xf32>
          %max3A_181 = arith.maximumf %add3A_178, %max3A_180 : vector<128x80xf32>
          %mul3A_182 = arith.mulf %max3A_174, %max3A_181 : vector<128x80xf32>
          %add3A_183 = vector.broadcast %get3A_110 : vector<1x80xf32> to vector<128x80xf32>
          %add3A_184 = arith.addf %add3A_183, %get3A_161 : vector<128x80xf32>
          %sub3A_185 = arith.subf %add3A_184, %mul3A_182 : vector<128x80xf32>
          %div3A_186 = arith.divf %mul3A_182, %sub3A_185 : vector<128x80xf32>
          %iota3A = tpu.iota {dimensions = array<i32: 0>} : vector<128x80xi32>
          %add3A_187 = vector.broadcast %mul3A_146 : i32 to vector<128x80xi32>
          %add3A_188 = arith.addi %add3A_187, %iota3A : vector<128x80xi32>
          %gt3A_189 = arith.constant 5.000000e-01 : f32
          %gt3A_190 = vector.broadcast %gt3A_189 : f32 to vector<128x80xf32>
          %gt3A_191 = arith.cmpf ogt, %div3A_186, %gt3A_190 : vector<128x80xf32>
          %gt3A_192 = vector.broadcast %while3A_84 : i32 to vector<128x80xi32>
          %gt3A_193 = arith.cmpi sgt, %add3A_188, %gt3A_192 : vector<128x80xi32>
          %and3A_194 = arith.andi %gt3A_191, %gt3A_193 : vector<128x80xi1>
          %gt3A_195 = arith.constant 0.000000e+00 : f32
          %gt3A_196 = vector.broadcast %gt3A_195 : f32 to vector<1x80xf32>
          %gt3A_197 = arith.cmpf ogt, %get3A_87, %gt3A_196 : vector<1x80xf32>
          %and3A_198 = vector.broadcast %gt3A_197 : vector<1x80xi1> to vector<128x80xi1>
          %and3A_199 = arith.andi %and3A_194, %and3A_198 : vector<128x80xi1>
          %get3A_200 = arith.index_cast %mul3A_146 : i32 to index
          %get3A_201 = arith.constant 0 : index
          %get3A_202 = vector.load %arg6[%get3A_200, %get3A_201] : memref<1024x80xf32, #tpu.memory_space<vmem>>, vector<128x80xf32>
          %jit3A_203 = arith.constant 0.000000e+00 : f32
          %broadcast_in_dim3A_204 = vector.broadcast %jit3A_203 : f32 to vector<128x80xf32>
          %select_n3A_205 = arith.select %and3A_199, %broadcast_in_dim3A_204, %get3A_202 : vector<128x80xi1>, vector<128x80xf32>
          %swap3A_206 = arith.index_cast %mul3A_146 : i32 to index
          %swap3A_207 = arith.constant 0 : index
          %swap3A_208 = vector.load %arg6[%swap3A_206, %swap3A_207] : memref<1024x80xf32, #tpu.memory_space<vmem>>, vector<128x80xf32>
          tpu.vector_store %arg6[%swap3A_206, %swap3A_207], %select_n3A_205 {strides = array<i32>} : memref<1024x80xf32, #tpu.memory_space<vmem>>, vector<128x80xf32>,
        }
      } else {
      }
    }
    %get3A_72 = arith.constant 0 : index
    %get3A_73 = arith.constant 0 : index
    %get3A_74 = vector.load %arg6[%get3A_72, %get3A_73] : memref<1024x80xf32, #tpu.memory_space<vmem>>, vector<1024x80xf32>
    %gt3A_75 = arith.constant 0.000000e+00 : f32
    %gt3A_76 = vector.broadcast %gt3A_75 : f32 to vector<1024x80xf32>
    %gt3A_77 = arith.cmpf ogt, %get3A_74, %gt3A_76 : vector<1024x80xf32>
    %jit3A_78 = arith.constant -1.000000e+00 : f32
    %broadcast_in_dim3A_79 = vector.broadcast %jit3A_78 : f32 to vector<1024x80xf32>
    %select_n3A_80 = arith.select %gt3A_77, %get3A_1, %broadcast_in_dim3A_79 : vector<1024x80xi1>, vector<1024x80xf32>
    %swap3A_81 = arith.constant 0 : index
    %swap3A_82 = arith.constant 0 : index
    %swap3A_83 = vector.load %arg5[%swap3A_81, %swap3A_82] : memref<1024x80xf32, #tpu.memory_space<vmem>>, vector<1024x80xf32>
    tpu.vector_store %arg5[%swap3A_81, %swap3A_82], %select_n3A_80 {strides = array<i32>} : memref<1024x80xf32, #tpu.memory_space<vmem>>, vector<1024x80xf32>,
    return
  }
}

</mosaic_0001>

<sc_bundles>
// kernel: gather_offload_async_start.1
scs
__scs_entry_jumppad:
0x0: {  	(pc) =	sbr.rel $0x88, $3  }
0x1: {  	(tag) =	ssettag $0x0;
	lr =	simm.s32 $0x1  }
0x2: {  	[smem:$0x3F9E] =	sst lr;
	_ =	strace $0xD0000000  }
0x3: {  	_ = 	snop  }
0x4: {  	_ = 	snop  }
0x5: {  	_ = 	snop  }
0x6: {  	_ = 	snop  }
0x7: {  	_ = 	snop  }
__scs_overlays_trampoline_lowered:
0x8: {  	[smem:$0x3FAD] =	sst s0  }
0x9: {  	[smem:$0x3FAE] =	sst s1  }
0xa: {  	[smem:$0x3FAF] =	sst s2  }
0xb: {  	[smem:$0x3FB0] =	sst s3  }
0xc: {  	[smem:$0x3FB1] =	sst s4  }
0xd: {  	[smem:$0x3FB2] =	sst s5  }
0xe: {  	[smem:$0x3FB3] =	sst s6  }
0xf: {  	[smem:$0x3FB4] =	sst s7  }
0x10: {  	[smem:$0x3FB5] =	sst s8  }
0x11: {  	[smem:$0x3FB6] =	sst s9;
	s0 =	simm.s32 @!p0 $0x0  }
0x12: {  	s1 =	sld [smem:$0x3F9C];
	s0 =	simm.s32 @p0 $0x1  }
0x13: {  	[smem:$0x3FB7] =	sst s0;
	s0 =	simm.s32 @!p1 $0x0  }
0x14: {  	s2 =	sld [smem:$0x3F9B];
	s0 =	simm.s32 @p1 $0x1  }
0x15: {  	[smem:$0x3FB8] =	sst s0;
	s0 =	simm.s32 @!p2 $0x0  }
0x16: {  	s3 =	sld [smem:$0x3FDB];
	s0 =	simm.s32 @p2 $0x1  }
0x17: {  	s4 =	simm.s32 $0x1BF5;
	[smem:$0x3FBA] =	sst s0  }
0x18: {  	s0 =	sld [smem:$0x3F9D];
	_ =	swait.ge [sflag:s4], $0x0  }
0x19: {  	s7 =	sld [smem:$0x3F9E]  }
0x1a: {  	s8 =	sadd.s32 $0xFFFFE003, lr  }
0x1b: {  	s9 =	sadd.s32 $0xFFFFFEF7, lr;
	s5 =	simm.s32 $0xFFFFFFFF;
	p2 =	slt.u32 s8, $0xFFFFF086  }
0x1c: {  	p1 =	slt.u32 s9, $0xF7A;
	s5 =	simm.s32 @!p2 $0x0  }
0x1d: {  	s5 =	simm.s32 @p1 $0x1;
	p0 =	seq.s32 s7, s2  }
0x1e: {  	s7 =	smul.u32 @!p0 $0xF7A, s2;
	p2 =	seq.s32 @!p0 s5, $0x0  }
0x1f: {  	s9 =	smul.u32 $0xF7A, s1;
	s8 =	simm.s32 @!p0 $0x1BF5;
	p2 =	por !p2, p0  }
0x20: {  	[sflag:s8] =	ssyncset.s32 @!p0 $0xFFFFF086;
	s6 =	sadd.s32 @!p0 s3, s7;
	s7 =	simm.s32 @!p0 $0x108  }
0x21: {  	s3 =	sadd.s32 s3, s9;
	s6 =	sadd.s32 @!p0 $0x88, s6;
	s7 =	simm.s32 @p2 $0x1082  }
0x22: {  	[simem:s7], [sflag:s8] =	dma.local @!p0 [hbm:s6], $0xF7A  }
0x23: {  	s9 =	sor.u32 $0xD0000000, s2;
	s6 =	simm.s32 $0x108;
	_ =	swait.ge @!p0 [sflag:s8], $0x0  }
0x24: {  	s3 =	sadd.s32 $0x88, s3;
	s6 =	simm.s32 @!p1 $0x1082;
	[sflag:s4] =	ssyncset.s32 $0xFFFFF086  }
0x25: {  	[simem:s6], [sflag:s4] =	dma.local [hbm:s3], $0xF7A  }
0x26: {  	[smem:$0x3F9E] =	sst s1;
	(tag) =	ssettag s2;
	_ =	strace s9  }
0x27: {  	s1 =	sld [smem:$0x3FAE]  }
0x28: {  	s2 =	sld [smem:$0x3FAF]  }
0x29: {  	s4 =	sld [smem:$0x3FB1]  }
0x2a: {  	p0 =	seq.s32 s5, $0x0;
	s5 =	sld [smem:$0x3FB2]  }
0x2b: {  	s6 =	sld [smem:$0x3FB3]  }
0x2c: {  	s7 =	sld [smem:$0x3FB4]  }
0x2d: {  	s3 =	simm.s32 $0x108;
	s8 =	sld [smem:$0x3FB5]  }
0x2e: {  	s3 =	simm.s32 @!p0 $0x1082;
	s9 =	sld [smem:$0x3FB6]  }
0x2f: {  	lr =	sadd.s32 s0, s3;
	s0 =	sld [smem:$0x3FAD]  }
0x30: {  	s3 =	sld [smem:$0x3FB0]  }
0x31: {  	[smem:$0x3FB9] =	sst s10  }
0x32: {  	s10 =	sld [smem:$0x3FB7];
	_ =	sdelay $0x3  }
0x33: {  	p0 =	seq.s32 s10, $0x1;
	s10 =	sld [smem:$0x3FB9];
	_ =	sdelay $0x3  }
0x34: {  	[smem:$0x3FB9] =	sst s10  }
0x35: {  	s10 =	sld [smem:$0x3FB8];
	_ =	sdelay $0x3  }
0x36: {  	p1 =	seq.s32 s10, $0x1;
	s10 =	sld [smem:$0x3FB9];
	_ =	sdelay $0x3  }
0x37: {  	[smem:$0x3FB9] =	sst s10  }
0x38: {  	s10 =	sld [smem:$0x3FBA]  }
0x39: {  	_ = 	snop;
	(pc) =	sbr.ind lr, $3  }
0x3a: {  	_ = 	snop  }
0x3b: {  	_ = 	snop  }
0x3c: {  	p2 =	seq.s32 s10, $0x1;
	s10 =	sld [smem:$0x3FB9]  }
0x3d: {  	_ =	shalt  }
0x3e: {  	_ =	shalt  }
0x3f: {  	_ =	shalt  }
0x40: {  	_ =	shalt  }
0x41: {  	_ =	shalt  }
0x42: {  	_ =	shalt  }
0x43: {  	_ =	shalt  }
0x44: {  	_ =	shalt  }
0x45: {  	_ =	shalt  }
0x46: {  	_ =	shalt  }
0x47: {  	_ =	shalt  }
0x48: {  	_ =	shalt  }
0x49: {  	_ =	shalt  }
0x4a: {  	_ =	shalt  }
0x4b: {  	_ =	shalt  }
0x4c: {  	_ =	shalt  }
0x4d: {  	_ =	shalt  }
0x4e: {  	_ =	shalt  }
0x4f: {  	_ =	shalt  }
0x50: {  	_ =	shalt  }
0x51: {  	_ =	shalt  }
0x52: {  	_ =	shalt  }
0x53: {  	_ =	shalt  }
0x54: {  	_ =	shalt  }
0x55: {  	_ =	shalt  }
0x56: {  	_ =	shalt  }
0x57: {  	_ =	shalt  }
0x58: {  	_ =	shalt  }
0x59: {  	_ =	shalt  }
0x5a: {  	_ =	shalt  }
0x5b: {  	_ =	shalt  }
0x5c: {  	_ =	shalt  }
0x5d: {  	_ =	shalt  }
0x5e: {  	_ =	shalt  }
0x5f: {  	_ =	shalt  }
0x60: {  	_ =	shalt  }
0x61: {  	_ =	shalt  }
0x62: {  	_ =	shalt  }
0x63: {  	_ =	shalt  }
0x64: {  	_ =	shalt  }
0x65: {  	_ =	shalt  }
0x66: {  	_ =	shalt  }
0x67: {  	_ =	shalt  }
0x68: {  	_ =	shalt  }
0x69: {  	_ =	shalt  }
0x6a: {  	_ =	shalt  }
0x6b: {  	_ =	shalt  }
0x6c: {  	_ =	shalt  }
0x6d: {  	_ =	shalt  }
0x6e: {  	_ =	shalt  }
0x6f: {  	_ =	shalt  }
0x70: {  	_ =	shalt  }
0x71: {  	_ =	shalt  }
0x72: {  	_ =	shalt  }
0x73: {  	_ =	shalt  }
0x74: {  	_ =	shalt  }
0x75: {  	_ =	shalt  }
0x76: {  	_ =	shalt  }
0x77: {  	_ =	shalt  }
0x78: {  	_ =	shalt  }
0x79: {  	_ =	shalt  }
0x7a: {  	_ =	shalt  }
0x7b: {  	_ =	shalt  }
0x7c: {  	_ =	shalt  }
0x7d: {  	_ =	shalt  }
0x7e: {  	_ =	shalt  }
0x7f: {  	_ =	shalt  }
0x80: {  	_ =	shalt  }
0x81: {  	_ =	shalt  }
0x82: {  	_ =	shalt  }
0x83: {  	_ =	shalt  }
0x84: {  	_ =	shalt  }
0x85: {  	_ =	shalt  }
0x86: {  	_ =	shalt  }
0x87: {  	_ =	shalt  }
.Lfunc_end0:
.L_simem_size_0:
called_computation.1_lowered:
.L_overlay_start_0:
0x88: {  	s2 =	sld [smem:$0x3FD9]  }
0x89: {  	s3 =	sld [smem:$0x3FFE];
	_ =	sdelay $0x1  }
0x8a: {  	s1 =	srdreg.scid  }
0x8b: {  	s0 =	sand.u32 $0x1, s1  }
0x8c: {  	s16 =	sshll.u32 s0, $0xA;
	s2 =	sadd.s32 s3, s2  }
0x8d: {  	s2 =	sadd.s32 s2, s16  }
0x8e: {  	[smem:$0x3FC5] =	sst s2  }
0x8f: {  	_ = 	snop  }
0x90: {  	(tm) =	ssettm $0x1  }
0x91: {  	s17 =	sld [smem:$0x3FFB];
	_ =	sdelay $0x3  }
0x92: {  	_ =	strace s17  }
0x93: {  	s2 =	sld [smem:$0x3FFC];
	_ =	sdelay $0x3  }
0x94: {  	_ =	strace s2  }
0x95: {  	s2 =	sld [smem:$0x3FFD];
	_ =	sdelay $0x3  }
0x96: {  	_ =	strace s2  }
0x97: {  	_ =	strace $0x8FFFFFFF  }
0x98: {  	s18 =	sld [smem:$0x3FDB];
	_ =	sdelay $0x1  }
0x99: {  	s19 =	simm.s32 $_scs_section_size  }
0x9a: {  	s4 =	simm.s32 $_size__tile_overlayer_lowered;
	s5 =	simm.s32 $_tile_overlayer_lowered  }
0x9b: {  	s22 =	simm.s32 $0x1BFF;
	s21 =	sshll.u32 s5, $0x1;
	s2 =	sadd.s32 s19, s18  }
0x9c: {  	s6 =	simm.s32 $0x0;
	s20 =	sshll.u32 s4, $0x1;
	s4 =	sadd.s32 s21, s2  }
0x9d: {  	[timem:s6], [sflag:s22] =	dma.local [hbm:s4], s20  }
0x9e: {  	_ =	swait.ge [sflag:s22], s20  }
0x9f: {  	s3 =	ssub.s32 $0x0, s20;
	[sflag:s22] =	ssyncset.done $0x0  }
0xa0: {  	[sflag:s22] =	ssyncadd.s32 s3;
	_ =	sdelay $0x1  }
0xa1: {  	s23 =	simm.s32 $0x1B8B  }
0xa2: {  	_ =	swait.ge [sflag:s23], $0x1  }
0xa3: {  	[sflag:s23] =	ssyncset.done $0x0  }
0xa4: {  	s25 =	simm.s32 $0x1B8E;
	s24 =	sld [smem:$0x3FFE];
	[sflag:s23] =	ssyncadd.s32 $0xFFFFFFFF  }
0xa5: {  	s26 =	simm.s32 $execute0_lowered;
	[smem:$0x3FD2] =	sst s25  }
0xa6: {  	s4 =	sshll.u32 s26, $0x1;
	_ =	strace $0x8000004F;
	[dreg:$0x1] =	wrdreg $0xFFFFFFFF  }
0xa7: {  	s28 =	simm.s32 $_size_execute0_lowered;
	s2 =	sadd.s32 s2, s4;
	[dreg:$0x0] =	wrdreg $0x0  }
0xa8: {  	s4 =	sshll.u32 s28, $0x1;
	[dreg:$0x2] =	wrdreg s2  }
0xa9: {  	[dreg:$0x3] =	wrdreg s4  }
0xaa: {  	[dreg:$0x4] =	wrdreg $0xC0  }
0xab: {  	_ =	task [dreg:s6], $0x5FFFF  }
0xac: {  	[dreg:$0x1] =	wrdreg $0xFFFFFFFF  }
0xad: {  	[dreg:$0x0] =	wrdreg $0x60  }
0xae: {  	[dreg:$0x2] =	wrdreg s24  }
0xaf: {  	[dreg:$0x3] =	wrdreg $0xA  }
0xb0: {  	_ =	task.clear_ibuf [dreg:s6], $0x4FFFF;
	_ =	strace $0x9000004F  }
0xb1: {  	s29 =	simm.s32 $0xA;
	_ =	strace $0x80000051  }
0xb2: {  	_ =	swait.ge [sflag:s29], $0x1  }
0xb3: {  	[sflag:s29] =	ssyncadd.s32 $0xFFFFFFFF  }
0xb4: {  	_ =	strace $0x90000051  }
0xb5: {  	_ =	sfence  }
0xb6: {  	s30 =	sld [smem:$0x0];
	_ =	sdelay $0x2  }
0xb7: {  	s31 =	sshll.u32 s1, $0xD;
	s1 =	sshrl.u32 s1, $0x2  }
0xb8: {  	s3 =	sand.u32 $0x4000, s31;
	s1 =	sadd.s32 s1, s30  }
0xb9: {  	s0 =	sor.u32 s3, s0;
	s1 =	sshll.u32 s1, $0x11  }
0xba: {  	s0 =	sor.u32 s1, s0  }
0xbb: {  	s0 =	sadd.s32 $0x8F2B, s0  }
0xbc: {  	[sflag:s0] =	ssyncadd.remote.s32 $0x1  }
0xbd: {  	_ =	sfence.sel $0xFFFF  }
0xbe: {  	[dreg:$0x0] =	wrdreg $0xFFFFFFFF;
	(pc) =	sbr.abs _section_cstart, $3  }
0xbf: {  	[dreg:$0x1] =	wrdreg $0xFFFFFFFF  }
0xc0: {  	_ =	task.clear_ibuf [dreg:s6], $0x2FFFF;
	_ =	strace $0x9FFFFFFF  }
0xc1: {  	(tm) =	ssettm $0x7FFFFFFF  }
tec
execute0_lowered:
.L_overlay_start_1:
0x0: {  	(tag) =	ssettag $0x1  }
0x1: {  	s8 =	rddreg [dreg:$0x0]  }
0x2: {  	s0 =	rddreg [dreg:$0x1];
	_ =	strace $0x80000050;
	s1 =	stileid.u32  }
0x3: {  	s3 =	srdreg.scid;
	s4 =	simm.s32 $0x1;
	s7 =	simm.s32 $0x1  }
0x4: {  	s9 =	simm.s32 $0x1;
	s10 =	simm.s32 $0x3;
	s13 =	simm.s32 $0x0  }
0x5: {  	s12 =	simm.s32 $0x0;
	s5 =	sand.u32 $0x1, s3;
	s6 =	sshll.u32 s1, $0x1  }
0x6: {  	s2 =	sadd.s32 $0x8000, s8;
	s3 =	sadd.s32 $0x18000, s8;
	s5 =	sor.u32 s6, s5  }
.Ltmp0:
0x7: {  	[sflag:s4] =	ssyncpa.u1 $0x0;
	p0 =	slt.u32 s5, $0x9;
	(pc) =	sbr.rel .LBB2_1-.Ltmp0, $4  }
0x8: {  	s6 =	simm.s32 $0x2;
	s7 =	simm.s32 @!p0 $0x0;
	p0 =	sne.s32 s5, $0x8  }
0x9: {  	[sflag:s6] =	ssyncpa.u1 $0x0;
	s5 =	smul.u32 $0x7D0, s5;
	s9 =	simm.s32 @!p0 $0x0  }
0xa: {  	s8 =	sadd.s32 $0x14000, s8;
	[sflag:s10] =	ssyncpa.u1 $0x0;
	s7 =	sadd.s32 s9, s7  }
0xb: {  	vm0 =	vmmov $0xffff;
	s10 =	simm.s32 $0x0;
	s11 =	smov.u32 s5;
	s9 =	sadd.s32 $0x1, s7  }
.LBB2_4:
0xc: {  	vm1 =	veq.s32 v1, $0x80000000;
	v5 =	vand.u32 $0x7F, v1;
	v60 =	vand.u32 $0x1FF80, v1  }
0xd: {  	v5 =	vsel vm1, $0xFFFFFFFF, v5;
	v1 =	vsel vm1, $0xFFFFFF80, v60  }
0xe: {  	v3 =	vor.u32 v4, v3;
	v61 =	vand.u32 $0xFFFFFC00, v1;
	v6 =	vand.u32 $0xFFFFFC00, v5  }
0xf: {  	v2 =	vor.u32 v2, v3;
	v1 =	vand.u32 $0x380, v1;
	v62 =	vadd.s32 v6, v61  }
0x10: {  	v63 =	vand.u32 $0x7F, v5;
	v1 =	vor.u32 v1, v62  }
0x11: {  	v1 =	vor.u32 v63, v1  }
0x12: {  	[tilespmem:s18], [sflag:$0x1] =	stream.indirect_vreg.gather [hbm4b:s2+s10], $0x1, v0, vm0, $0x4038;
	[tilespmem:$0x1F40] =	vst v63  }
0x13: {  	(ifvalue) =	ssetifvalue $0x7FFFFFFF  }
0x14: {  	[tilespmem:s15], [sflag:$0x1] =	stream.indirect_vreg.gather [hbm4b:s2+s10], $0x1, v2, vm0, $0x4038;
	[tilespmem:$0x1F40] =	vst v63  }
0x15: {  	s29 =	sadd.s32 $0x10, s15;
	(ifvalue) =	ssetifvalue $0x7FFFFFFF  }
0x16: {  	[tilespmem:s29], [sflag:$0x1] =	stream.indirect_vreg.gather [hbm4b:s2+s10], $0x1, v1, vm0, $0x4038;
	[tilespmem:$0x1F40] =	vst v63  }
0x17: {  	_ =	swait.ge [sflag:s4], $0x7D0  }
0x18: {  	s30 =	sshrl.u32 s13, $0x3;
	[sflag:s4] =	ssyncset.done $0x0  }
0x19: {  	s31 =	sand.u32 $0x7, s13;
	s15 =	sadd.s32 s8, s30;
	[sflag:s4] =	ssyncadd.s32 $0xFFFFF830  }
0x1a: {  	[hbm4b:s15+s31] =	stream.linear.scatter [tilespmem:s14], [sflag:$0x3], $0x7D0, $0x38;
	[tilespmem:$0x1F40] =	vst v63  }
.LBB2_5:
0x1b: {  	s15 =	sadd.s32 $0xFA00, s11  }
0x1c: {  	p1 =	sgt.s32 s15, $0x1387F  }
0x1d: {  	s15 =	smov.u32 @p1 s5;
	p1 =	sne.s32 s12, s9  }
.Ltmp1:
0x1e: {  	p0 =	slt.u32 s12, $0x2;
	(pc) =	sbr.rel @!p1 .LBB2_6-.Ltmp1, $4  }
0x1f: {  	s14 =	simm.s32 @!p0 $0x3  }
0x20: {  	_ =	swait.ge @!p0 [sflag:s14], $0x7D0  }
0x21: {  	s16 =	sadd.s32 $0x1, s12;
	s13 =	smov.u32 s11;
	[sflag:s14] =	ssyncset.done @!p0 $0x0  }
0x22: {  	s12 =	smov.u32 s16;
	s11 =	smov.u32 s15;
	[sflag:s14] =	ssyncadd.s32 @!p0 $0xFFFFF830  }
.LBB2_1:
0x23: {  	p0 =	sge.u32 s12, s7  }
0x24: {  	s14 =	sxor.u32 @!p0 $0x1, s12  }
0x25: {  	s14 =	smul.u32 @!p0 $0x1F40, s14  }
0x26: {  	s31 =	sadd.s32 $0xFFFFFFFF, s12;
	s15 =	sshrl.u32 @!p0 s11, $0x3  }
0x27: {  	s16 =	sand.u32 @!p0 $0x7, s11;
	s15 =	sadd.s32 @!p0 s3, s15;
	s14 =	sshra.s32 @!p0 s14, $0x2  }
0x28: {  	[tilespmem:s14], [sflag:$0x2] =	stream.linear.gather @!p0 [hbm4b:s15+s16], $0x7D0, $0x38;
	[tilespmem:$0x1F40] =	vst v63  }
0x29: {  	p0 =	sge.u32 s31, s7  }
.Ltmp2:
0x2a: {  	_ = 	snop;
	(pc) =	sbr.rel @p0 .LBB2_5-.Ltmp2, $1  }
0x2b: {  	_ =	sdelay $0x3  }
0x2c: {  	s14 =	sand.u32 $0x1, s12  }
0x2d: {  	_ =	swait.ge [sflag:s6], $0x7D0;
	p0 =	seq.s32 s14, $0x1;
	s14 =	simm.s32 $0x7D0  }
0x2e: {  	[sflag:s6] =	ssyncset.done $0x0;
	s14 =	simm.s32 @!p0 $0x0  }
0x2f: {  	[sflag:s6] =	ssyncadd.s32 $0xFFFFF830;
	(ifvalue) =	ssetifvalue $0x7FFFFFFF;
	v0 =	vld.msk [tilespmem:s14+$0x0 ss:$0x1], $0xffff;
	_ =	sdelay $0x4  }
0x30: {  	s15 =	sadd.s32 $0x10, s14;
	vm1 =	veq.s32 v0, $0x80000000;
	v2 =	vand.u32 $0x7F, v0;
	v0 =	vand.u32 $0x1FF80, v0  }
0x31: {  	v1 =	vld.msk [tilespmem:s15+$0x0 ss:$0x1], $0xffff;
	v2 =	vsel vm1, $0xFFFFFFFF, v2;
	v0 =	vsel vm1, $0xFFFFFF80, v0  }
0x32: {  	v3 =	vand.u32 $0xFFFFFC00, v0;
	v4 =	vand.u32 $0xFFFFFC00, v2  }
0x33: {  	v0 =	vand.u32 $0x380, v0;
	v3 =	vadd.s32 v4, v3  }
0x34: {  	v2 =	vand.u32 $0x7F, v2;
	v0 =	vor.u32 v0, v3  }
0x35: {  	v0 =	vor.u32 v2, v0  }
0x36: {  	vm1 =	veq.s32 v1, $0x80000000;
	v4 =	vand.u32 $0x7F, v1;
	v1 =	vand.u32 $0x1FF80, v1  }
0x37: {  	v3 =	vsel vm1, $0xFFFFFFFF, v4;
	v4 =	vsel vm1, $0xFFFFFF80, v1  }
0x38: {  	s17 =	simm.s32 $0x20;
	s14 =	sadd.s32 $0xFA0, s14;
	s16 =	sadd.s32 $0x10, s15;
	v5 =	vand.u32 $0xFFFFFC00, v4;
	v6 =	vand.u32 $0xFFFFFC00, v3  }
0x39: {  	s15 =	sadd.s32 $0x10, s14;
	s18 =	smov.u32 s14;
	v1 =	vld.msk [tilespmem:s16+$0x0 ss:$0x1], $0xffff;
	(ifvalue) =	ssetifvalue $0x7FFFFFFF;
	v2 =	vand.u32 $0x7F, v3;
	v4 =	vand.u32 $0x380, v4;
	v3 =	vadd.s32 v6, v5  }
.LBB2_3:
0x3a: {  	[tilespmem:s18], [sflag:$0x1] =	stream.indirect_vreg.gather [hbm4b:s2+s10], $0x1, v0, vm0, $0x4038;
	[tilespmem:$0x1F40] =	vst v63  }
0x3b: {  	s17 =	sadd.s32 $0x10, s17  }
0x3c: {  	v3 =	vor.u32 v4, v3;
	p0 =	slt.u32 s17, $0x7C0  }
.Ltmp3:
0x3d: {  	s16 =	sadd.s32 $0x10, s16;
	v0 =	vor.u32 v2, v3;
	(pc) =	sbr.rel @p0 .LBB2_3-.Ltmp3, $4  }
0x3e: {  	vm1 =	veq.s32 v1, $0x80000000;
	s18 =	smov.u32 s15;
	v2 =	vand.u32 $0x7F, v1;
	v3 =	vand.u32 $0x1FF80, v1;
	v1 =	vld.msk [tilespmem:s16+$0x0 ss:$0x1], $0xffff  }
0x3f: {  	v4 =	vsel vm1, $0xFFFFFFFF, v2;
	v5 =	vsel vm1, $0xFFFFFF80, v3  }
0x40: {  	v2 =	vand.u32 $0x7F, v4;
	v3 =	vand.u32 $0xFFFFFC00, v5;
	v4 =	vand.u32 $0xFFFFFC00, v4  }
0x41: {  	s15 =	sadd.s32 $0x10, s15;
	v3 =	vadd.s32 v4, v3;
	v4 =	vand.u32 $0x380, v5;
	(ifvalue) =	ssetifvalue $0x7FFFFFFF  }
.Ltmp4:
0x42: {  	_ = 	snop;
	(pc) =	sbr.rel .LBB2_4-.Ltmp4, $1  }
0x43: {  	_ =	sdelay $0x3  }
.LBB2_6:
0x44: {  	_ =	sfence.sel $0x180000  }
0x45: {  	s2 =	simm.s32 $0x2;
	[bflag:$0x0] =	sbarrier.arrive $0xFFFF  }
0x46: {  	s30 =	simm.s32 $0x3;
	[sflag:s2] =	ssyncpa.u1 $0x1  }
0x47: {  	s31 =	simm.s32 $0x1;
	[sflag:s30] =	ssyncpa.u1 $0x1  }
0x48: {  	[sflag:s31] =	ssyncpa.u1 $0x1  }
0x49: {  	p0 =	sne.s32 s1, $0x0;
	_ =	strace $0x90000050  }
0x4a: {  	s0 =	sadd.s32 @!p0 $0x100000, s0;
	[bflag:$0x2] =	sbarrier.arrive $0xFFFF  }
0x4b: {  	[sflag:s0] =	ssyncadd.tile.s32 @!p0 $0x1;
	_ =	shalt  }
.Lfunc_end2:
_tile_overlayer_lowered:
.L_overlay_start_2:
0x4c: {  	(tag) =	ssettag $0x2  }
0x4d: {  	s0 =	rddreg [dreg:$0x0];
	s2 =	stileid.u32  }
0x4e: {  	s1 =	rddreg [dreg:$0x1];
	p0 =	sne.s32 s2, $0x0  }
0x4f: {  	s3 =	rddreg [dreg:$0x2];
	[bflag:$0x3] =	sbarrier.arrive $0xFFFF;
	s2 =	simm.s32 @!p0 $0x1C01  }
0x50: {  	[timem:s3], [sflag:s2] =	dma.local @!p0 [hbm:s0], s1  }
0x51: {  	s0 =	simm.s32 @!p0 $0x1  }
0x52: {  	_ =	swait.ge @!p0 [sflag:s0], s1  }
0x53: {  	s1 =	ssub.s32 @!p0 $0x0, s1;
	[sflag:s0] =	ssyncset.done @!p0 $0x0  }
0x54: {  	[sflag:s0] =	ssyncadd.s32 @!p0 s1  }
0x55: {  	[bflag:$0x3] =	sbarrier.arrive $0xFFFF  }
0x56: {  	_ =	shalt  }

// kernel: gather_offload_async_start.2
scs
__scs_entry_jumppad:
0x0: {  	(pc) =	sbr.rel $0x88, $3  }
0x1: {  	(tag) =	ssettag $0x0;
	lr =	simm.s32 $0x1  }
0x2: {  	[smem:$0x3F9E] =	sst lr;
	_ =	strace $0xD0000000  }
0x3: {  	_ = 	snop  }
0x4: {  	_ = 	snop  }
0x5: {  	_ = 	snop  }
0x6: {  	_ = 	snop  }
0x7: {  	_ = 	snop  }
__scs_overlays_trampoline_lowered:
0x8: {  	[smem:$0x3FAD] =	sst s0  }
0x9: {  	[smem:$0x3FAE] =	sst s1  }
0xa: {  	[smem:$0x3FAF] =	sst s2  }
0xb: {  	[smem:$0x3FB0] =	sst s3  }
0xc: {  	[smem:$0x3FB1] =	sst s4  }
0xd: {  	[smem:$0x3FB2] =	sst s5  }
0xe: {  	[smem:$0x3FB3] =	sst s6  }
0xf: {  	[smem:$0x3FB4] =	sst s7  }
0x10: {  	[smem:$0x3FB5] =	sst s8  }
0x11: {  	[smem:$0x3FB6] =	sst s9;
	s0 =	simm.s32 @!p0 $0x0  }
0x12: {  	s1 =	sld [smem:$0x3F9C];
	s0 =	simm.s32 @p0 $0x1  }
0x13: {  	[smem:$0x3FB7] =	sst s0;
	s0 =	simm.s32 @!p1 $0x0  }
0x14: {  	s2 =	sld [smem:$0x3F9B];
	s0 =	simm.s32 @p1 $0x1  }
0x15: {  	[smem:$0x3FB8] =	sst s0;
	s0 =	simm.s32 @!p2 $0x0  }
0x16: {  	s3 =	sld [smem:$0x3FDB];
	s0 =	simm.s32 @p2 $0x1  }
0x17: {  	s4 =	simm.s32 $0x1BF5;
	[smem:$0x3FBA] =	sst s0  }
0x18: {  	s0 =	sld [smem:$0x3F9D];
	_ =	swait.ge [sflag:s4], $0x0  }
0x19: {  	s7 =	sld [smem:$0x3F9E]  }
0x1a: {  	s8 =	sadd.s32 $0xFFFFE003, lr  }
0x1b: {  	s9 =	sadd.s32 $0xFFFFFEF7, lr;
	s5 =	simm.s32 $0xFFFFFFFF;
	p2 =	slt.u32 s8, $0xFFFFF086  }
0x1c: {  	p1 =	slt.u32 s9, $0xF7A;
	s5 =	simm.s32 @!p2 $0x0  }
0x1d: {  	s5 =	simm.s32 @p1 $0x1;
	p0 =	seq.s32 s7, s2  }
0x1e: {  	s7 =	smul.u32 @!p0 $0xF7A, s2;
	p2 =	seq.s32 @!p0 s5, $0x0  }
0x1f: {  	s9 =	smul.u32 $0xF7A, s1;
	s8 =	simm.s32 @!p0 $0x1BF5;
	p2 =	por !p2, p0  }
0x20: {  	[sflag:s8] =	ssyncset.s32 @!p0 $0xFFFFF086;
	s6 =	sadd.s32 @!p0 s3, s7;
	s7 =	simm.s32 @!p0 $0x108  }
0x21: {  	s3 =	sadd.s32 s3, s9;
	s6 =	sadd.s32 @!p0 $0x88, s6;
	s7 =	simm.s32 @p2 $0x1082  }
0x22: {  	[simem:s7], [sflag:s8] =	dma.local @!p0 [hbm:s6], $0xF7A  }
0x23: {  	s9 =	sor.u32 $0xD0000000, s2;
	s6 =	simm.s32 $0x108;
	_ =	swait.ge @!p0 [sflag:s8], $0x0  }
0x24: {  	s3 =	sadd.s32 $0x88, s3;
	s6 =	simm.s32 @!p1 $0x1082;
	[sflag:s4] =	ssyncset.s32 $0xFFFFF086  }
0x25: {  	[simem:s6], [sflag:s4] =	dma.local [hbm:s3], $0xF7A  }
0x26: {  	[smem:$0x3F9E] =	sst s1;
	(tag) =	ssettag s2;
	_ =	strace s9  }
0x27: {  	s1 =	sld [smem:$0x3FAE]  }
0x28: {  	s2 =	sld [smem:$0x3FAF]  }
0x29: {  	s4 =	sld [smem:$0x3FB1]  }
0x2a: {  	p0 =	seq.s32 s5, $0x0;
	s5 =	sld [smem:$0x3FB2]  }
0x2b: {  	s6 =	sld [smem:$0x3FB3]  }
0x2c: {  	s7 =	sld [smem:$0x3FB4]  }
0x2d: {  	s3 =	simm.s32 $0x108;
	s8 =	sld [smem:$0x3FB5]  }
0x2e: {  	s3 =	simm.s32 @!p0 $0x1082;
	s9 =	sld [smem:$0x3FB6]  }
0x2f: {  	lr =	sadd.s32 s0, s3;
	s0 =	sld [smem:$0x3FAD]  }
0x30: {  	s3 =	sld [smem:$0x3FB0]  }
0x31: {  	[smem:$0x3FB9] =	sst s10  }
0x32: {  	s10 =	sld [smem:$0x3FB7];
	_ =	sdelay $0x3  }
0x33: {  	p0 =	seq.s32 s10, $0x1;
	s10 =	sld [smem:$0x3FB9];
	_ =	sdelay $0x3  }
0x34: {  	[smem:$0x3FB9] =	sst s10  }
0x35: {  	s10 =	sld [smem:$0x3FB8];
	_ =	sdelay $0x3  }
0x36: {  	p1 =	seq.s32 s10, $0x1;
	s10 =	sld [smem:$0x3FB9];
	_ =	sdelay $0x3  }
0x37: {  	[smem:$0x3FB9] =	sst s10  }
0x38: {  	s10 =	sld [smem:$0x3FBA]  }
0x39: {  	_ = 	snop;
	(pc) =	sbr.ind lr, $3  }
0x3a: {  	_ = 	snop  }
0x3b: {  	_ = 	snop  }
0x3c: {  	p2 =	seq.s32 s10, $0x1;
	s10 =	sld [smem:$0x3FB9]  }
0x3d: {  	_ =	shalt  }
0x3e: {  	_ =	shalt  }
0x3f: {  	_ =	shalt  }
0x40: {  	_ =	shalt  }
0x41: {  	_ =	shalt  }
0x42: {  	_ =	shalt  }
0x43: {  	_ =	shalt  }
0x44: {  	_ =	shalt  }
0x45: {  	_ =	shalt  }
0x46: {  	_ =	shalt  }
0x47: {  	_ =	shalt  }
0x48: {  	_ =	shalt  }
0x49: {  	_ =	shalt  }
0x4a: {  	_ =	shalt  }
0x4b: {  	_ =	shalt  }
0x4c: {  	_ =	shalt  }
0x4d: {  	_ =	shalt  }
0x4e: {  	_ =	shalt  }
0x4f: {  	_ =	shalt  }
0x50: {  	_ =	shalt  }
0x51: {  	_ =	shalt  }
0x52: {  	_ =	shalt  }
0x53: {  	_ =	shalt  }
0x54: {  	_ =	shalt  }
0x55: {  	_ =	shalt  }
0x56: {  	_ =	shalt  }
0x57: {  	_ =	shalt  }
0x58: {  	_ =	shalt  }
0x59: {  	_ =	shalt  }
0x5a: {  	_ =	shalt  }
0x5b: {  	_ =	shalt  }
0x5c: {  	_ =	shalt  }
0x5d: {  	_ =	shalt  }
0x5e: {  	_ =	shalt  }
0x5f: {  	_ =	shalt  }
0x60: {  	_ =	shalt  }
0x61: {  	_ =	shalt  }
0x62: {  	_ =	shalt  }
0x63: {  	_ =	shalt  }
0x64: {  	_ =	shalt  }
0x65: {  	_ =	shalt  }
0x66: {  	_ =	shalt  }
0x67: {  	_ =	shalt  }
0x68: {  	_ =	shalt  }
0x69: {  	_ =	shalt  }
0x6a: {  	_ =	shalt  }
0x6b: {  	_ =	shalt  }
0x6c: {  	_ =	shalt  }
0x6d: {  	_ =	shalt  }
0x6e: {  	_ =	shalt  }
0x6f: {  	_ =	shalt  }
0x70: {  	_ =	shalt  }
0x71: {  	_ =	shalt  }
0x72: {  	_ =	shalt  }
0x73: {  	_ =	shalt  }
0x74: {  	_ =	shalt  }
0x75: {  	_ =	shalt  }
0x76: {  	_ =	shalt  }
0x77: {  	_ =	shalt  }
0x78: {  	_ =	shalt  }
0x79: {  	_ =	shalt  }
0x7a: {  	_ =	shalt  }
0x7b: {  	_ =	shalt  }
0x7c: {  	_ =	shalt  }
0x7d: {  	_ =	shalt  }
0x7e: {  	_ =	shalt  }
0x7f: {  	_ =	shalt  }
0x80: {  	_ =	shalt  }
0x81: {  	_ =	shalt  }
0x82: {  	_ =	shalt  }
0x83: {  	_ =	shalt  }
0x84: {  	_ =	shalt  }
0x85: {  	_ =	shalt  }
0x86: {  	_ =	shalt  }
0x87: {  	_ =	shalt  }
.Lfunc_end0:
.L_simem_size_0:
called_computation.2_lowered:
.L_overlay_start_0:
0x88: {  	s2 =	sld [smem:$0x3FD9]  }
0x89: {  	s3 =	sld [smem:$0x3FFE];
	_ =	sdelay $0x1  }
0x8a: {  	s1 =	srdreg.scid  }
0x8b: {  	s0 =	sand.u32 $0x1, s1  }
0x8c: {  	s17 =	sshll.u32 s0, $0xA;
	s2 =	sadd.s32 s3, s2  }
0x8d: {  	s2 =	sadd.s32 s2, s17  }
0x8e: {  	[smem:$0x3FC5] =	sst s2  }
0x8f: {  	_ = 	snop  }
0x90: {  	(tm) =	ssettm $0x1  }
0x91: {  	s18 =	sld [smem:$0x3FFB];
	_ =	sdelay $0x3  }
0x92: {  	_ =	strace s18  }
0x93: {  	s2 =	sld [smem:$0x3FFC];
	_ =	sdelay $0x3  }
0x94: {  	_ =	strace s2  }
0x95: {  	s2 =	sld [smem:$0x3FFD];
	_ =	sdelay $0x3  }
0x96: {  	_ =	strace s2  }
0x97: {  	_ =	strace $0x8FFFFFFF  }
0x98: {  	s19 =	sld [smem:$0x3FDB];
	_ =	sdelay $0x1  }
0x99: {  	s20 =	simm.s32 $_scs_section_size  }
0x9a: {  	s4 =	simm.s32 $_size__tile_overlayer_lowered;
	s5 =	simm.s32 $_tile_overlayer_lowered  }
0x9b: {  	s6 =	simm.s32 $0x1BFF;
	s21 =	sshll.u32 s5, $0x1;
	s3 =	sadd.s32 s20, s19  }
0x9c: {  	s22 =	simm.s32 $0x0;
	s4 =	sshll.u32 s4, $0x1;
	s5 =	sadd.s32 s21, s3  }
0x9d: {  	[timem:s22], [sflag:s6] =	dma.local [hbm:s5], s4  }
0x9e: {  	_ =	swait.ge [sflag:s6], s4  }
0x9f: {  	s4 =	ssub.s32 $0x0, s4;
	[sflag:s6] =	ssyncset.done $0x0  }
0xa0: {  	[sflag:s6] =	ssyncadd.s32 s4;
	_ =	sdelay $0x1  }
0xa1: {  	s23 =	simm.s32 $0x1B8B  }
0xa2: {  	_ =	swait.ge [sflag:s23], $0x1  }
0xa3: {  	[sflag:s23] =	ssyncset.done $0x0  }
0xa4: {  	[sflag:s23] =	ssyncadd.s32 $0xFFFFFFFF  }
0xa5: {  	s4 =	sld [smem:$0x0]  }
0xa6: {  	s5 =	sand.u32 $0xFFFFFFFE, s1  }
0xa7: {  	p0 =	sne.s32 s1, s5  }
0xa8: {  	s5 =	sshll.u32 @p0 s5, $0xE  }
0xa9: {  	s5 =	sadd.s32 @p0 $0x11B8D, s5;
	s6 =	sshll.u32 @p0 s4, $0x11  }
0xaa: {  	s5 =	sor.u32 @p0 s6, s5  }
0xab: {  	[sflag:s5] =	ssyncadd.remote.s32 @p0 $0x1;
	_ =	sdelay $0x1  }
0xac: {  	s5 =	simm.s32 @p0 $0x1B8D  }
0xad: {  	_ =	swait.eq @p0 [sflag:s5], $0x1  }
0xae: {  	[sflag:s5] =	ssyncadd.s32 @p0 $0xFFFFFFFF  }
0xaf: {  	s6 =	sshll.u32 @!p0 s1, $0xE  }
0xb0: {  	s6 =	sor.u32 @!p0 $0x4000, s6;
	s5 =	simm.s32 @!p0 $0x1B8D  }
0xb1: {  	s4 =	sshll.u32 @!p0 s4, $0x11;
	s6 =	sadd.s32 @!p0 $0x11B8D, s6;
	_ =	swait.eq @!p0 [sflag:s5], $0x1  }
0xb2: {  	s4 =	sor.u32 @!p0 s4, s6;
	[sflag:s5] =	ssyncadd.s32 @!p0 $0xFFFFFFFF  }
0xb3: {  	s25 =	simm.s32 $0x1B8E;
	s24 =	sld [smem:$0x3FFE];
	[sflag:s4] =	ssyncadd.remote.s32 @!p0 $0x1  }
0xb4: {  	s26 =	simm.s32 $execute0_lowered;
	[smem:$0x3FD2] =	sst s25  }
0xb5: {  	s5 =	sshll.u32 s26, $0x1;
	_ =	strace $0x8000004C;
	[dreg:$0x1] =	wrdreg $0xFFFFFFFF  }
0xb6: {  	s28 =	simm.s32 $_size_execute0_lowered;
	s3 =	sadd.s32 s3, s5;
	[dreg:$0x0] =	wrdreg $0x0  }
0xb7: {  	s5 =	sshll.u32 s28, $0x1;
	[dreg:$0x2] =	wrdreg s3  }
0xb8: {  	[dreg:$0x3] =	wrdreg s5  }
0xb9: {  	[dreg:$0x4] =	wrdreg $0xC0  }
0xba: {  	_ =	task [dreg:s22], $0x5FFFF  }
0xbb: {  	[dreg:$0x1] =	wrdreg $0xFFFFFFFF  }
0xbc: {  	[dreg:$0x0] =	wrdreg $0x60  }
0xbd: {  	[dreg:$0x2] =	wrdreg s24  }
0xbe: {  	[dreg:$0x3] =	wrdreg $0x9  }
0xbf: {  	_ =	task.clear_ibuf [dreg:s22], $0x4FFFF;
	_ =	strace $0x9000004C  }
0xc0: {  	s29 =	simm.s32 $0x9;
	_ =	strace $0x8000004E  }
0xc1: {  	_ =	swait.ge [sflag:s29], $0x1  }
0xc2: {  	[sflag:s29] =	ssyncadd.s32 $0xFFFFFFFF  }
0xc3: {  	_ =	strace $0x9000004E  }
0xc4: {  	_ =	sfence  }
0xc5: {  	s30 =	sld [smem:$0x0];
	_ =	sdelay $0x2  }
0xc6: {  	s31 =	sshll.u32 s1, $0xD;
	s1 =	sshrl.u32 s1, $0x2  }
0xc7: {  	s4 =	sand.u32 $0x4000, s31;
	s1 =	sadd.s32 s1, s30  }
0xc8: {  	s0 =	sor.u32 s4, s0;
	s1 =	sshll.u32 s1, $0x11  }
0xc9: {  	s0 =	sor.u32 s1, s0  }
0xca: {  	s0 =	sadd.s32 $0x8F2B, s0  }
0xcb: {  	[sflag:s0] =	ssyncadd.remote.s32 $0x1  }
0xcc: {  	_ =	sfence.sel $0xFFFF  }
0xcd: {  	[dreg:$0x0] =	wrdreg $0xFFFFFFFF;
	(pc) =	sbr.abs _section_cstart, $3  }
0xce: {  	[dreg:$0x1] =	wrdreg $0xFFFFFFFF  }
0xcf: {  	_ =	task.clear_ibuf [dreg:s22], $0x2FFFF;
	_ =	strace $0x9FFFFFFF  }
0xd0: {  	(tm) =	ssettm $0x7FFFFFFF  }
0xd1: {  	_ =	shalt  }
tec
execute0_lowered:
.L_overlay_start_1:
0x0: {  	(tag) =	ssettag $0x1  }
0x1: {  	s8 =	rddreg [dreg:$0x0]  }
0x2: {  	s0 =	rddreg [dreg:$0x1];
	_ =	strace $0x8000004D;
	s1 =	stileid.u32  }
0x3: {  	s3 =	srdreg.scid;
	s4 =	simm.s32 $0x1;
	s7 =	simm.s32 $0x1  }
0x4: {  	s9 =	simm.s32 $0x1;
	s10 =	simm.s32 $0x3;
	s13 =	simm.s32 $0x0  }
0x5: {  	s12 =	simm.s32 $0x0;
	s5 =	sand.u32 $0x1, s3;
	s6 =	sshll.u32 s1, $0x1  }
0x6: {  	s2 =	sadd.s32 $0xC000, s8;
	s3 =	sadd.s32 $0x18000, s8;
	s5 =	sor.u32 s6, s5  }
.Ltmp0:
0x7: {  	[sflag:s4] =	ssyncpa.u1 $0x0;
	p0 =	slt.u32 s5, $0x9;
	(pc) =	sbr.rel .LBB2_1-.Ltmp0, $4  }
0x8: {  	s6 =	simm.s32 $0x2;
	s7 =	simm.s32 @!p0 $0x0;
	p0 =	sne.s32 s5, $0x8  }
0x9: {  	[sflag:s6] =	ssyncpa.u1 $0x0;
	s5 =	smul.u32 $0x7D0, s5;
	s9 =	simm.s32 @!p0 $0x0  }
0xa: {  	s8 =	sadd.s32 $0x1F800, s8;
	[sflag:s10] =	ssyncpa.u1 $0x0;
	s7 =	sadd.s32 s9, s7  }
0xb: {  	vm0 =	vmmov $0xffff;
	s10 =	simm.s32 $0x0;
	s11 =	smov.u32 s5;
	s9 =	sadd.s32 $0x1, s7  }
.LBB2_4:
0xc: {  	vm1 =	veq.s32 v1, $0x80000000;
	v5 =	vand.u32 $0x7F, v1;
	v60 =	vand.u32 $0x1FF80, v1  }
0xd: {  	v5 =	vsel vm1, $0xFFFFFFFF, v5;
	v1 =	vsel vm1, $0xFFFFFF80, v60  }
0xe: {  	v3 =	vor.u32 v4, v3;
	v61 =	vand.u32 $0xFFFFFC00, v1;
	v6 =	vand.u32 $0xFFFFFC00, v5  }
0xf: {  	v2 =	vor.u32 v2, v3;
	v1 =	vand.u32 $0x380, v1;
	v62 =	vadd.s32 v6, v61  }
0x10: {  	v63 =	vand.u32 $0x7F, v5;
	v1 =	vor.u32 v1, v62  }
0x11: {  	v1 =	vor.u32 v63, v1  }
0x12: {  	[tilespmem:s18], [sflag:$0x1] =	stream.indirect_vreg.gather [hbm4b:s2+s10], $0x1, v0, vm0, $0x4038;
	[tilespmem:$0x1F40] =	vst v63  }
0x13: {  	(ifvalue) =	ssetifvalue $0x7FFFFFFF  }
0x14: {  	[tilespmem:s15], [sflag:$0x1] =	stream.indirect_vreg.gather [hbm4b:s2+s10], $0x1, v2, vm0, $0x4038;
	[tilespmem:$0x1F40] =	vst v63  }
0x15: {  	s29 =	sadd.s32 $0x10, s15;
	(ifvalue) =	ssetifvalue $0x7FFFFFFF  }
0x16: {  	[tilespmem:s29], [sflag:$0x1] =	stream.indirect_vreg.gather [hbm4b:s2+s10], $0x1, v1, vm0, $0x4038;
	[tilespmem:$0x1F40] =	vst v63  }
0x17: {  	_ =	swait.ge [sflag:s4], $0x7D0  }
0x18: {  	s30 =	sshrl.u32 s13, $0x3;
	[sflag:s4] =	ssyncset.done $0x0  }
0x19: {  	s31 =	sand.u32 $0x7, s13;
	s15 =	sadd.s32 s8, s30;
	[sflag:s4] =	ssyncadd.s32 $0xFFFFF830  }
0x1a: {  	[hbm4b:s15+s31] =	stream.linear.scatter [tilespmem:s14], [sflag:$0x3], $0x7D0, $0x38;
	[tilespmem:$0x1F40] =	vst v63  }
.LBB2_5:
0x1b: {  	s15 =	sadd.s32 $0xFA00, s11  }
0x1c: {  	p1 =	sgt.s32 s15, $0x1387F  }
0x1d: {  	s15 =	smov.u32 @p1 s5;
	p1 =	sne.s32 s12, s9  }
.Ltmp1:
0x1e: {  	p0 =	slt.u32 s12, $0x2;
	(pc) =	sbr.rel @!p1 .LBB2_6-.Ltmp1, $4  }
0x1f: {  	s14 =	simm.s32 @!p0 $0x3  }
0x20: {  	_ =	swait.ge @!p0 [sflag:s14], $0x7D0  }
0x21: {  	s16 =	sadd.s32 $0x1, s12;
	s13 =	smov.u32 s11;
	[sflag:s14] =	ssyncset.done @!p0 $0x0  }
0x22: {  	s12 =	smov.u32 s16;
	s11 =	smov.u32 s15;
	[sflag:s14] =	ssyncadd.s32 @!p0 $0xFFFFF830  }
.LBB2_1:
0x23: {  	p0 =	sge.u32 s12, s7  }
0x24: {  	s14 =	sxor.u32 @!p0 $0x1, s12  }
0x25: {  	s14 =	smul.u32 @!p0 $0x1F40, s14  }
0x26: {  	s31 =	sadd.s32 $0xFFFFFFFF, s12;
	s15 =	sshrl.u32 @!p0 s11, $0x3  }
0x27: {  	s16 =	sand.u32 @!p0 $0x7, s11;
	s15 =	sadd.s32 @!p0 s3, s15;
	s14 =	sshra.s32 @!p0 s14, $0x2  }
0x28: {  	[tilespmem:s14], [sflag:$0x2] =	stream.linear.gather @!p0 [hbm4b:s15+s16], $0x7D0, $0x38;
	[tilespmem:$0x1F40] =	vst v63  }
0x29: {  	p0 =	sge.u32 s31, s7  }
.Ltmp2:
0x2a: {  	_ = 	snop;
	(pc) =	sbr.rel @p0 .LBB2_5-.Ltmp2, $1  }
0x2b: {  	_ =	sdelay $0x3  }
0x2c: {  	s14 =	sand.u32 $0x1, s12  }
0x2d: {  	_ =	swait.ge [sflag:s6], $0x7D0;
	p0 =	seq.s32 s14, $0x1;
	s14 =	simm.s32 $0x7D0  }
0x2e: {  	[sflag:s6] =	ssyncset.done $0x0;
	s14 =	simm.s32 @!p0 $0x0  }
0x2f: {  	[sflag:s6] =	ssyncadd.s32 $0xFFFFF830;
	(ifvalue) =	ssetifvalue $0x7FFFFFFF;
	v0 =	vld.msk [tilespmem:s14+$0x0 ss:$0x1], $0xffff;
	_ =	sdelay $0x4  }
0x30: {  	s15 =	sadd.s32 $0x10, s14;
	vm1 =	veq.s32 v0, $0x80000000;
	v2 =	vand.u32 $0x7F, v0;
	v0 =	vand.u32 $0x1FF80, v0  }
0x31: {  	v1 =	vld.msk [tilespmem:s15+$0x0 ss:$0x1], $0xffff;
	v2 =	vsel vm1, $0xFFFFFFFF, v2;
	v0 =	vsel vm1, $0xFFFFFF80, v0  }
0x32: {  	v3 =	vand.u32 $0xFFFFFC00, v0;
	v4 =	vand.u32 $0xFFFFFC00, v2  }
0x33: {  	v0 =	vand.u32 $0x380, v0;
	v3 =	vadd.s32 v4, v3  }
0x34: {  	v2 =	vand.u32 $0x7F, v2;
	v0 =	vor.u32 v0, v3  }
0x35: {  	v0 =	vor.u32 v2, v0  }
0x36: {  	vm1 =	veq.s32 v1, $0x80000000;
	v4 =	vand.u32 $0x7F, v1;
	v1 =	vand.u32 $0x1FF80, v1  }
0x37: {  	v3 =	vsel vm1, $0xFFFFFFFF, v4;
	v4 =	vsel vm1, $0xFFFFFF80, v1  }
0x38: {  	s17 =	simm.s32 $0x20;
	s14 =	sadd.s32 $0xFA0, s14;
	s16 =	sadd.s32 $0x10, s15;
	v5 =	vand.u32 $0xFFFFFC00, v4;
	v6 =	vand.u32 $0xFFFFFC00, v3  }
0x39: {  	s15 =	sadd.s32 $0x10, s14;
	s18 =	smov.u32 s14;
	v1 =	vld.msk [tilespmem:s16+$0x0 ss:$0x1], $0xffff;
	(ifvalue) =	ssetifvalue $0x7FFFFFFF;
	v2 =	vand.u32 $0x7F, v3;
	v4 =	vand.u32 $0x380, v4;
	v3 =	vadd.s32 v6, v5  }
.LBB2_3:
0x3a: {  	[tilespmem:s18], [sflag:$0x1] =	stream.indirect_vreg.gather [hbm4b:s2+s10], $0x1, v0, vm0, $0x4038;
	[tilespmem:$0x1F40] =	vst v63  }
0x3b: {  	s17 =	sadd.s32 $0x10, s17  }
0x3c: {  	v3 =	vor.u32 v4, v3;
	p0 =	slt.u32 s17, $0x7C0  }
.Ltmp3:
0x3d: {  	s16 =	sadd.s32 $0x10, s16;
	v0 =	vor.u32 v2, v3;
	(pc) =	sbr.rel @p0 .LBB2_3-.Ltmp3, $4  }
0x3e: {  	vm1 =	veq.s32 v1, $0x80000000;
	s18 =	smov.u32 s15;
	v2 =	vand.u32 $0x7F, v1;
	v3 =	vand.u32 $0x1FF80, v1;
	v1 =	vld.msk [tilespmem:s16+$0x0 ss:$0x1], $0xffff  }
0x3f: {  	v4 =	vsel vm1, $0xFFFFFFFF, v2;
	v5 =	vsel vm1, $0xFFFFFF80, v3  }
0x40: {  	v2 =	vand.u32 $0x7F, v4;
	v3 =	vand.u32 $0xFFFFFC00, v5;
	v4 =	vand.u32 $0xFFFFFC00, v4  }
0x41: {  	s15 =	sadd.s32 $0x10, s15;
	v3 =	vadd.s32 v4, v3;
	v4 =	vand.u32 $0x380, v5;
	(ifvalue) =	ssetifvalue $0x7FFFFFFF  }
.Ltmp4:
0x42: {  	_ = 	snop;
	(pc) =	sbr.rel .LBB2_4-.Ltmp4, $1  }
0x43: {  	_ =	sdelay $0x3  }
.LBB2_6:
0x44: {  	_ =	sfence.sel $0x180000  }
0x45: {  	s2 =	simm.s32 $0x2;
	[bflag:$0x0] =	sbarrier.arrive $0xFFFF  }
0x46: {  	s30 =	simm.s32 $0x3;
	[sflag:s2] =	ssyncpa.u1 $0x1  }
0x47: {  	s31 =	simm.s32 $0x1;
	[sflag:s30] =	ssyncpa.u1 $0x1  }
0x48: {  	[sflag:s31] =	ssyncpa.u1 $0x1  }
0x49: {  	p0 =	sne.s32 s1, $0x0;
	_ =	strace $0x9000004D  }
0x4a: {  	s0 =	sadd.s32 @!p0 $0x100000, s0;
	[bflag:$0x2] =	sbarrier.arrive $0xFFFF  }
0x4b: {  	[sflag:s0] =	ssyncadd.tile.s32 @!p0 $0x1;
	_ =	shalt  }
.Lfunc_end2:
_tile_overlayer_lowered:
.L_overlay_start_2:
0x4c: {  	(tag) =	ssettag $0x2  }
0x4d: {  	s0 =	rddreg [dreg:$0x0];
	s2 =	stileid.u32  }
0x4e: {  	s1 =	rddreg [dreg:$0x1];
	p0 =	sne.s32 s2, $0x0  }
0x4f: {  	s3 =	rddreg [dreg:$0x2];
	[bflag:$0x3] =	sbarrier.arrive $0xFFFF;
	s2 =	simm.s32 @!p0 $0x1C01  }
0x50: {  	[timem:s3], [sflag:s2] =	dma.local @!p0 [hbm:s0], s1  }
0x51: {  	s0 =	simm.s32 @!p0 $0x1  }
0x52: {  	_ =	swait.ge @!p0 [sflag:s0], s1  }
0x53: {  	s1 =	ssub.s32 @!p0 $0x0, s1;
	[sflag:s0] =	ssyncset.done @!p0 $0x0  }
0x54: {  	[sflag:s0] =	ssyncadd.s32 @!p0 s1  }
0x55: {  	[bflag:$0x3] =	sbarrier.arrive $0xFFFF  }
0x56: {  	_ =	shalt  }

// kernel: gather_offload_async_start.3
scs
__scs_entry_jumppad:
0x0: {  	(pc) =	sbr.rel $0x88, $3  }
0x1: {  	(tag) =	ssettag $0x0;
	lr =	simm.s32 $0x1  }
0x2: {  	[smem:$0x3F9E] =	sst lr;
	_ =	strace $0xD0000000  }
0x3: {  	_ = 	snop  }
0x4: {  	_ = 	snop  }
0x5: {  	_ = 	snop  }
0x6: {  	_ = 	snop  }
0x7: {  	_ = 	snop  }
__scs_overlays_trampoline_lowered:
0x8: {  	[smem:$0x3FAD] =	sst s0  }
0x9: {  	[smem:$0x3FAE] =	sst s1  }
0xa: {  	[smem:$0x3FAF] =	sst s2  }
0xb: {  	[smem:$0x3FB0] =	sst s3  }
0xc: {  	[smem:$0x3FB1] =	sst s4  }
0xd: {  	[smem:$0x3FB2] =	sst s5  }
0xe: {  	[smem:$0x3FB3] =	sst s6  }
0xf: {  	[smem:$0x3FB4] =	sst s7  }
0x10: {  	[smem:$0x3FB5] =	sst s8  }
0x11: {  	[smem:$0x3FB6] =	sst s9;
	s0 =	simm.s32 @!p0 $0x0  }
0x12: {  	s1 =	sld [smem:$0x3F9C];
	s0 =	simm.s32 @p0 $0x1  }
0x13: {  	[smem:$0x3FB7] =	sst s0;
	s0 =	simm.s32 @!p1 $0x0  }
0x14: {  	s2 =	sld [smem:$0x3F9B];
	s0 =	simm.s32 @p1 $0x1  }
0x15: {  	[smem:$0x3FB8] =	sst s0;
	s0 =	simm.s32 @!p2 $0x0  }
0x16: {  	s3 =	sld [smem:$0x3FDB];
	s0 =	simm.s32 @p2 $0x1  }
0x17: {  	s4 =	simm.s32 $0x1BF5;
	[smem:$0x3FBA] =	sst s0  }
0x18: {  	s0 =	sld [smem:$0x3F9D];
	_ =	swait.ge [sflag:s4], $0x0  }
0x19: {  	s7 =	sld [smem:$0x3F9E]  }
0x1a: {  	s8 =	sadd.s32 $0xFFFFE003, lr  }
0x1b: {  	s9 =	sadd.s32 $0xFFFFFEF7, lr;
	s5 =	simm.s32 $0xFFFFFFFF;
	p2 =	slt.u32 s8, $0xFFFFF086  }
0x1c: {  	p1 =	slt.u32 s9, $0xF7A;
	s5 =	simm.s32 @!p2 $0x0  }
0x1d: {  	s5 =	simm.s32 @p1 $0x1;
	p0 =	seq.s32 s7, s2  }
0x1e: {  	s7 =	smul.u32 @!p0 $0xF7A, s2;
	p2 =	seq.s32 @!p0 s5, $0x0  }
0x1f: {  	s9 =	smul.u32 $0xF7A, s1;
	s8 =	simm.s32 @!p0 $0x1BF5;
	p2 =	por !p2, p0  }
0x20: {  	[sflag:s8] =	ssyncset.s32 @!p0 $0xFFFFF086;
	s6 =	sadd.s32 @!p0 s3, s7;
	s7 =	simm.s32 @!p0 $0x108  }
0x21: {  	s3 =	sadd.s32 s3, s9;
	s6 =	sadd.s32 @!p0 $0x88, s6;
	s7 =	simm.s32 @p2 $0x1082  }
0x22: {  	[simem:s7], [sflag:s8] =	dma.local @!p0 [hbm:s6], $0xF7A  }
0x23: {  	s9 =	sor.u32 $0xD0000000, s2;
	s6 =	simm.s32 $0x108;
	_ =	swait.ge @!p0 [sflag:s8], $0x0  }
0x24: {  	s3 =	sadd.s32 $0x88, s3;
	s6 =	simm.s32 @!p1 $0x1082;
	[sflag:s4] =	ssyncset.s32 $0xFFFFF086  }
0x25: {  	[simem:s6], [sflag:s4] =	dma.local [hbm:s3], $0xF7A  }
0x26: {  	[smem:$0x3F9E] =	sst s1;
	(tag) =	ssettag s2;
	_ =	strace s9  }
0x27: {  	s1 =	sld [smem:$0x3FAE]  }
0x28: {  	s2 =	sld [smem:$0x3FAF]  }
0x29: {  	s4 =	sld [smem:$0x3FB1]  }
0x2a: {  	p0 =	seq.s32 s5, $0x0;
	s5 =	sld [smem:$0x3FB2]  }
0x2b: {  	s6 =	sld [smem:$0x3FB3]  }
0x2c: {  	s7 =	sld [smem:$0x3FB4]  }
0x2d: {  	s3 =	simm.s32 $0x108;
	s8 =	sld [smem:$0x3FB5]  }
0x2e: {  	s3 =	simm.s32 @!p0 $0x1082;
	s9 =	sld [smem:$0x3FB6]  }
0x2f: {  	lr =	sadd.s32 s0, s3;
	s0 =	sld [smem:$0x3FAD]  }
0x30: {  	s3 =	sld [smem:$0x3FB0]  }
0x31: {  	[smem:$0x3FB9] =	sst s10  }
0x32: {  	s10 =	sld [smem:$0x3FB7];
	_ =	sdelay $0x3  }
0x33: {  	p0 =	seq.s32 s10, $0x1;
	s10 =	sld [smem:$0x3FB9];
	_ =	sdelay $0x3  }
0x34: {  	[smem:$0x3FB9] =	sst s10  }
0x35: {  	s10 =	sld [smem:$0x3FB8];
	_ =	sdelay $0x3  }
0x36: {  	p1 =	seq.s32 s10, $0x1;
	s10 =	sld [smem:$0x3FB9];
	_ =	sdelay $0x3  }
0x37: {  	[smem:$0x3FB9] =	sst s10  }
0x38: {  	s10 =	sld [smem:$0x3FBA]  }
0x39: {  	_ = 	snop;
	(pc) =	sbr.ind lr, $3  }
0x3a: {  	_ = 	snop  }
0x3b: {  	_ = 	snop  }
0x3c: {  	p2 =	seq.s32 s10, $0x1;
	s10 =	sld [smem:$0x3FB9]  }
0x3d: {  	_ =	shalt  }
0x3e: {  	_ =	shalt  }
0x3f: {  	_ =	shalt  }
0x40: {  	_ =	shalt  }
0x41: {  	_ =	shalt  }
0x42: {  	_ =	shalt  }
0x43: {  	_ =	shalt  }
0x44: {  	_ =	shalt  }
0x45: {  	_ =	shalt  }
0x46: {  	_ =	shalt  }
0x47: {  	_ =	shalt  }
0x48: {  	_ =	shalt  }
0x49: {  	_ =	shalt  }
0x4a: {  	_ =	shalt  }
0x4b: {  	_ =	shalt  }
0x4c: {  	_ =	shalt  }
0x4d: {  	_ =	shalt  }
0x4e: {  	_ =	shalt  }
0x4f: {  	_ =	shalt  }
0x50: {  	_ =	shalt  }
0x51: {  	_ =	shalt  }
0x52: {  	_ =	shalt  }
0x53: {  	_ =	shalt  }
0x54: {  	_ =	shalt  }
0x55: {  	_ =	shalt  }
0x56: {  	_ =	shalt  }
0x57: {  	_ =	shalt  }
0x58: {  	_ =	shalt  }
0x59: {  	_ =	shalt  }
0x5a: {  	_ =	shalt  }
0x5b: {  	_ =	shalt  }
0x5c: {  	_ =	shalt  }
0x5d: {  	_ =	shalt  }
0x5e: {  	_ =	shalt  }
0x5f: {  	_ =	shalt  }
0x60: {  	_ =	shalt  }
0x61: {  	_ =	shalt  }
0x62: {  	_ =	shalt  }
0x63: {  	_ =	shalt  }
0x64: {  	_ =	shalt  }
0x65: {  	_ =	shalt  }
0x66: {  	_ =	shalt  }
0x67: {  	_ =	shalt  }
0x68: {  	_ =	shalt  }
0x69: {  	_ =	shalt  }
0x6a: {  	_ =	shalt  }
0x6b: {  	_ =	shalt  }
0x6c: {  	_ =	shalt  }
0x6d: {  	_ =	shalt  }
0x6e: {  	_ =	shalt  }
0x6f: {  	_ =	shalt  }
0x70: {  	_ =	shalt  }
0x71: {  	_ =	shalt  }
0x72: {  	_ =	shalt  }
0x73: {  	_ =	shalt  }
0x74: {  	_ =	shalt  }
0x75: {  	_ =	shalt  }
0x76: {  	_ =	shalt  }
0x77: {  	_ =	shalt  }
0x78: {  	_ =	shalt  }
0x79: {  	_ =	shalt  }
0x7a: {  	_ =	shalt  }
0x7b: {  	_ =	shalt  }
0x7c: {  	_ =	shalt  }
0x7d: {  	_ =	shalt  }
0x7e: {  	_ =	shalt  }
0x7f: {  	_ =	shalt  }
0x80: {  	_ =	shalt  }
0x81: {  	_ =	shalt  }
0x82: {  	_ =	shalt  }
0x83: {  	_ =	shalt  }
0x84: {  	_ =	shalt  }
0x85: {  	_ =	shalt  }
0x86: {  	_ =	shalt  }
0x87: {  	_ =	shalt  }
.Lfunc_end0:
.L_simem_size_0:
called_computation.3_lowered:
.L_overlay_start_0:
0x88: {  	s2 =	sld [smem:$0x3FD9]  }
0x89: {  	s3 =	sld [smem:$0x3FFE];
	_ =	sdelay $0x1  }
0x8a: {  	s1 =	srdreg.scid  }
0x8b: {  	s0 =	sand.u32 $0x1, s1  }
0x8c: {  	s16 =	sshll.u32 s0, $0xA;
	s2 =	sadd.s32 s3, s2  }
0x8d: {  	s2 =	sadd.s32 s2, s16  }
0x8e: {  	[smem:$0x3FC5] =	sst s2  }
0x8f: {  	_ = 	snop  }
0x90: {  	(tm) =	ssettm $0x1  }
0x91: {  	s17 =	sld [smem:$0x3FFB];
	_ =	sdelay $0x3  }
0x92: {  	_ =	strace s17  }
0x93: {  	s2 =	sld [smem:$0x3FFC];
	_ =	sdelay $0x3  }
0x94: {  	_ =	strace s2  }
0x95: {  	s2 =	sld [smem:$0x3FFD];
	_ =	sdelay $0x3  }
0x96: {  	_ =	strace s2  }
0x97: {  	_ =	strace $0x8FFFFFFF  }
0x98: {  	s18 =	sld [smem:$0x3FDB];
	_ =	sdelay $0x1  }
0x99: {  	s19 =	simm.s32 $_scs_section_size  }
0x9a: {  	s4 =	simm.s32 $_size__tile_overlayer_lowered;
	s5 =	simm.s32 $_tile_overlayer_lowered  }
0x9b: {  	s22 =	simm.s32 $0x1BFF;
	s21 =	sshll.u32 s5, $0x1;
	s2 =	sadd.s32 s19, s18  }
0x9c: {  	s6 =	simm.s32 $0x0;
	s20 =	sshll.u32 s4, $0x1;
	s4 =	sadd.s32 s21, s2  }
0x9d: {  	[timem:s6], [sflag:s22] =	dma.local [hbm:s4], s20  }
0x9e: {  	_ =	swait.ge [sflag:s22], s20  }
0x9f: {  	s3 =	ssub.s32 $0x0, s20;
	[sflag:s22] =	ssyncset.done $0x0  }
0xa0: {  	[sflag:s22] =	ssyncadd.s32 s3;
	_ =	sdelay $0x1  }
0xa1: {  	s23 =	simm.s32 $0x1B8B  }
0xa2: {  	_ =	swait.ge [sflag:s23], $0x1  }
0xa3: {  	[sflag:s23] =	ssyncset.done $0x0  }
0xa4: {  	s25 =	simm.s32 $0x1B8E;
	s24 =	sld [smem:$0x3FFE];
	[sflag:s23] =	ssyncadd.s32 $0xFFFFFFFF  }
0xa5: {  	s26 =	simm.s32 $execute0_lowered;
	[smem:$0x3FD2] =	sst s25  }
0xa6: {  	s4 =	sshll.u32 s26, $0x1;
	_ =	strace $0x80000049;
	[dreg:$0x1] =	wrdreg $0xFFFFFFFF  }
0xa7: {  	s28 =	simm.s32 $_size_execute0_lowered;
	s2 =	sadd.s32 s2, s4;
	[dreg:$0x0] =	wrdreg $0x0  }
0xa8: {  	s4 =	sshll.u32 s28, $0x1;
	[dreg:$0x2] =	wrdreg s2  }
0xa9: {  	[dreg:$0x3] =	wrdreg s4  }
0xaa: {  	[dreg:$0x4] =	wrdreg $0xC0  }
0xab: {  	_ =	task [dreg:s6], $0x5FFFF  }
0xac: {  	[dreg:$0x1] =	wrdreg $0xFFFFFFFF  }
0xad: {  	[dreg:$0x0] =	wrdreg $0x60  }
0xae: {  	[dreg:$0x2] =	wrdreg s24  }
0xaf: {  	[dreg:$0x3] =	wrdreg $0xA  }
0xb0: {  	_ =	task.clear_ibuf [dreg:s6], $0x4FFFF;
	_ =	strace $0x90000049  }
0xb1: {  	s29 =	simm.s32 $0xA;
	_ =	strace $0x8000004B  }
0xb2: {  	_ =	swait.ge [sflag:s29], $0x1  }
0xb3: {  	[sflag:s29] =	ssyncadd.s32 $0xFFFFFFFF  }
0xb4: {  	_ =	strace $0x9000004B  }
0xb5: {  	_ =	sfence  }
0xb6: {  	s30 =	sld [smem:$0x0];
	_ =	sdelay $0x2  }
0xb7: {  	s31 =	sshll.u32 s1, $0xD;
	s1 =	sshrl.u32 s1, $0x2  }
0xb8: {  	s3 =	sand.u32 $0x4000, s31;
	s1 =	sadd.s32 s1, s30  }
0xb9: {  	s0 =	sor.u32 s3, s0;
	s1 =	sshll.u32 s1, $0x11  }
0xba: {  	s0 =	sor.u32 s1, s0  }
0xbb: {  	s0 =	sadd.s32 $0x8F2B, s0  }
0xbc: {  	[sflag:s0] =	ssyncadd.remote.s32 $0x1  }
0xbd: {  	_ =	sfence.sel $0xFFFF  }
0xbe: {  	[dreg:$0x0] =	wrdreg $0xFFFFFFFF;
	(pc) =	sbr.abs _section_cstart, $3  }
0xbf: {  	[dreg:$0x1] =	wrdreg $0xFFFFFFFF  }
0xc0: {  	_ =	task.clear_ibuf [dreg:s6], $0x2FFFF;
	_ =	strace $0x9FFFFFFF  }
0xc1: {  	(tm) =	ssettm $0x7FFFFFFF  }
tec
execute0_lowered:
.L_overlay_start_1:
0x0: {  	(tag) =	ssettag $0x1  }
0x1: {  	s8 =	rddreg [dreg:$0x0]  }
0x2: {  	s0 =	rddreg [dreg:$0x1];
	_ =	strace $0x8000004A;
	s1 =	stileid.u32  }
0x3: {  	s3 =	srdreg.scid;
	s4 =	simm.s32 $0x1;
	s7 =	simm.s32 $0x1  }
0x4: {  	s9 =	simm.s32 $0x1;
	s10 =	simm.s32 $0x3;
	s13 =	simm.s32 $0x0  }
0x5: {  	s12 =	simm.s32 $0x0;
	s5 =	sand.u32 $0x1, s3;
	s6 =	sshll.u32 s1, $0x1  }
0x6: {  	s2 =	sadd.s32 $0x10000, s8;
	s3 =	sadd.s32 $0x18000, s8;
	s5 =	sor.u32 s6, s5  }
.Ltmp0:
0x7: {  	[sflag:s4] =	ssyncpa.u1 $0x0;
	p0 =	slt.u32 s5, $0x9;
	(pc) =	sbr.rel .LBB2_1-.Ltmp0, $4  }
0x8: {  	s6 =	simm.s32 $0x2;
	s7 =	simm.s32 @!p0 $0x0;
	p0 =	sne.s32 s5, $0x8  }
0x9: {  	[sflag:s6] =	ssyncpa.u1 $0x0;
	s5 =	smul.u32 $0x7D0, s5;
	s9 =	simm.s32 @!p0 $0x0  }
0xa: {  	s8 =	sadd.s32 $0x14000, s8;
	[sflag:s10] =	ssyncpa.u1 $0x0;
	s7 =	sadd.s32 s9, s7  }
0xb: {  	vm0 =	vmmov $0xffff;
	s10 =	simm.s32 $0x0;
	s11 =	smov.u32 s5;
	s9 =	sadd.s32 $0x1, s7  }
.LBB2_4:
0xc: {  	vm1 =	veq.s32 v1, $0x80000000;
	v5 =	vand.u32 $0x7F, v1;
	v60 =	vand.u32 $0x1FF80, v1  }
0xd: {  	v5 =	vsel vm1, $0xFFFFFFFF, v5;
	v1 =	vsel vm1, $0xFFFFFF80, v60  }
0xe: {  	v3 =	vor.u32 v4, v3;
	v61 =	vand.u32 $0xFFFFFC00, v1;
	v6 =	vand.u32 $0xFFFFFC00, v5  }
0xf: {  	v2 =	vor.u32 v2, v3;
	v1 =	vand.u32 $0x380, v1;
	v62 =	vadd.s32 v6, v61  }
0x10: {  	v63 =	vand.u32 $0x7F, v5;
	v1 =	vor.u32 v1, v62  }
0x11: {  	v1 =	vor.u32 v63, v1  }
0x12: {  	[tilespmem:s18], [sflag:$0x1] =	stream.indirect_vreg.gather [hbm4b:s2+s10], $0x1, v0, vm0, $0x4038;
	[tilespmem:$0x1F40] =	vst v63  }
0x13: {  	(ifvalue) =	ssetifvalue $0x7FFFFFFF  }
0x14: {  	[tilespmem:s15], [sflag:$0x1] =	stream.indirect_vreg.gather [hbm4b:s2+s10], $0x1, v2, vm0, $0x4038;
	[tilespmem:$0x1F40] =	vst v63  }
0x15: {  	s29 =	sadd.s32 $0x10, s15;
	(ifvalue) =	ssetifvalue $0x7FFFFFFF  }
0x16: {  	[tilespmem:s29], [sflag:$0x1] =	stream.indirect_vreg.gather [hbm4b:s2+s10], $0x1, v1, vm0, $0x4038;
	[tilespmem:$0x1F40] =	vst v63  }
0x17: {  	_ =	swait.ge [sflag:s4], $0x7D0  }
0x18: {  	s30 =	sshrl.u32 s13, $0x3;
	[sflag:s4] =	ssyncset.done $0x0  }
0x19: {  	s31 =	sand.u32 $0x7, s13;
	s15 =	sadd.s32 s8, s30;
	[sflag:s4] =	ssyncadd.s32 $0xFFFFF830  }
0x1a: {  	[hbm4b:s15+s31] =	stream.linear.scatter [tilespmem:s14], [sflag:$0x3], $0x7D0, $0x38;
	[tilespmem:$0x1F40] =	vst v63  }
.LBB2_5:
0x1b: {  	s15 =	sadd.s32 $0xFA00, s11  }
0x1c: {  	p1 =	sgt.s32 s15, $0x1387F  }
0x1d: {  	s15 =	smov.u32 @p1 s5;
	p1 =	sne.s32 s12, s9  }
.Ltmp1:
0x1e: {  	p0 =	slt.u32 s12, $0x2;
	(pc) =	sbr.rel @!p1 .LBB2_6-.Ltmp1, $4  }
0x1f: {  	s14 =	simm.s32 @!p0 $0x3  }
0x20: {  	_ =	swait.ge @!p0 [sflag:s14], $0x7D0  }
0x21: {  	s16 =	sadd.s32 $0x1, s12;
	s13 =	smov.u32 s11;
	[sflag:s14] =	ssyncset.done @!p0 $0x0  }
0x22: {  	s12 =	smov.u32 s16;
	s11 =	smov.u32 s15;
	[sflag:s14] =	ssyncadd.s32 @!p0 $0xFFFFF830  }
.LBB2_1:
0x23: {  	p0 =	sge.u32 s12, s7  }
0x24: {  	s14 =	sxor.u32 @!p0 $0x1, s12  }
0x25: {  	s14 =	smul.u32 @!p0 $0x1F40, s14  }
0x26: {  	s31 =	sadd.s32 $0xFFFFFFFF, s12;
	s15 =	sshrl.u32 @!p0 s11, $0x3  }
0x27: {  	s16 =	sand.u32 @!p0 $0x7, s11;
	s15 =	sadd.s32 @!p0 s3, s15;
	s14 =	sshra.s32 @!p0 s14, $0x2  }
0x28: {  	[tilespmem:s14], [sflag:$0x2] =	stream.linear.gather @!p0 [hbm4b:s15+s16], $0x7D0, $0x38;
	[tilespmem:$0x1F40] =	vst v63  }
0x29: {  	p0 =	sge.u32 s31, s7  }
.Ltmp2:
0x2a: {  	_ = 	snop;
	(pc) =	sbr.rel @p0 .LBB2_5-.Ltmp2, $1  }
0x2b: {  	_ =	sdelay $0x3  }
0x2c: {  	s14 =	sand.u32 $0x1, s12  }
0x2d: {  	_ =	swait.ge [sflag:s6], $0x7D0;
	p0 =	seq.s32 s14, $0x1;
	s14 =	simm.s32 $0x7D0  }
0x2e: {  	[sflag:s6] =	ssyncset.done $0x0;
	s14 =	simm.s32 @!p0 $0x0  }
0x2f: {  	[sflag:s6] =	ssyncadd.s32 $0xFFFFF830;
	(ifvalue) =	ssetifvalue $0x7FFFFFFF;
	v0 =	vld.msk [tilespmem:s14+$0x0 ss:$0x1], $0xffff;
	_ =	sdelay $0x4  }
0x30: {  	s15 =	sadd.s32 $0x10, s14;
	vm1 =	veq.s32 v0, $0x80000000;
	v2 =	vand.u32 $0x7F, v0;
	v0 =	vand.u32 $0x1FF80, v0  }
0x31: {  	v1 =	vld.msk [tilespmem:s15+$0x0 ss:$0x1], $0xffff;
	v2 =	vsel vm1, $0xFFFFFFFF, v2;
	v0 =	vsel vm1, $0xFFFFFF80, v0  }
0x32: {  	v3 =	vand.u32 $0xFFFFFC00, v0;
	v4 =	vand.u32 $0xFFFFFC00, v2  }
0x33: {  	v0 =	vand.u32 $0x380, v0;
	v3 =	vadd.s32 v4, v3  }
0x34: {  	v2 =	vand.u32 $0x7F, v2;
	v0 =	vor.u32 v0, v3  }
0x35: {  	v0 =	vor.u32 v2, v0  }
0x36: {  	vm1 =	veq.s32 v1, $0x80000000;
	v4 =	vand.u32 $0x7F, v1;
	v1 =	vand.u32 $0x1FF80, v1  }
0x37: {  	v3 =	vsel vm1, $0xFFFFFFFF, v4;
	v4 =	vsel vm1, $0xFFFFFF80, v1  }
0x38: {  	s17 =	simm.s32 $0x20;
	s14 =	sadd.s32 $0xFA0, s14;
	s16 =	sadd.s32 $0x10, s15;
	v5 =	vand.u32 $0xFFFFFC00, v4;
	v6 =	vand.u32 $0xFFFFFC00, v3  }
0x39: {  	s15 =	sadd.s32 $0x10, s14;
	s18 =	smov.u32 s14;
	v1 =	vld.msk [tilespmem:s16+$0x0 ss:$0x1], $0xffff;
	(ifvalue) =	ssetifvalue $0x7FFFFFFF;
	v2 =	vand.u32 $0x7F, v3;
	v4 =	vand.u32 $0x380, v4;
	v3 =	vadd.s32 v6, v5  }
.LBB2_3:
0x3a: {  	[tilespmem:s18], [sflag:$0x1] =	stream.indirect_vreg.gather [hbm4b:s2+s10], $0x1, v0, vm0, $0x4038;
	[tilespmem:$0x1F40] =	vst v63  }
0x3b: {  	s17 =	sadd.s32 $0x10, s17  }
0x3c: {  	v3 =	vor.u32 v4, v3;
	p0 =	slt.u32 s17, $0x7C0  }
.Ltmp3:
0x3d: {  	s16 =	sadd.s32 $0x10, s16;
	v0 =	vor.u32 v2, v3;
	(pc) =	sbr.rel @p0 .LBB2_3-.Ltmp3, $4  }
0x3e: {  	vm1 =	veq.s32 v1, $0x80000000;
	s18 =	smov.u32 s15;
	v2 =	vand.u32 $0x7F, v1;
	v3 =	vand.u32 $0x1FF80, v1;
	v1 =	vld.msk [tilespmem:s16+$0x0 ss:$0x1], $0xffff  }
0x3f: {  	v4 =	vsel vm1, $0xFFFFFFFF, v2;
	v5 =	vsel vm1, $0xFFFFFF80, v3  }
0x40: {  	v2 =	vand.u32 $0x7F, v4;
	v3 =	vand.u32 $0xFFFFFC00, v5;
	v4 =	vand.u32 $0xFFFFFC00, v4  }
0x41: {  	s15 =	sadd.s32 $0x10, s15;
	v3 =	vadd.s32 v4, v3;
	v4 =	vand.u32 $0x380, v5;
	(ifvalue) =	ssetifvalue $0x7FFFFFFF  }
.Ltmp4:
0x42: {  	_ = 	snop;
	(pc) =	sbr.rel .LBB2_4-.Ltmp4, $1  }
0x43: {  	_ =	sdelay $0x3  }
.LBB2_6:
0x44: {  	_ =	sfence.sel $0x180000  }
0x45: {  	s2 =	simm.s32 $0x2;
	[bflag:$0x0] =	sbarrier.arrive $0xFFFF  }
0x46: {  	s30 =	simm.s32 $0x3;
	[sflag:s2] =	ssyncpa.u1 $0x1  }
0x47: {  	s31 =	simm.s32 $0x1;
	[sflag:s30] =	ssyncpa.u1 $0x1  }
0x48: {  	[sflag:s31] =	ssyncpa.u1 $0x1  }
0x49: {  	p0 =	sne.s32 s1, $0x0;
	_ =	strace $0x9000004A  }
0x4a: {  	s0 =	sadd.s32 @!p0 $0x100000, s0;
	[bflag:$0x2] =	sbarrier.arrive $0xFFFF  }
0x4b: {  	[sflag:s0] =	ssyncadd.tile.s32 @!p0 $0x1;
	_ =	shalt  }
.Lfunc_end2:
_tile_overlayer_lowered:
.L_overlay_start_2:
0x4c: {  	(tag) =	ssettag $0x2  }
0x4d: {  	s0 =	rddreg [dreg:$0x0];
	s2 =	stileid.u32  }
0x4e: {  	s1 =	rddreg [dreg:$0x1];
	p0 =	sne.s32 s2, $0x0  }
0x4f: {  	s3 =	rddreg [dreg:$0x2];
	[bflag:$0x3] =	sbarrier.arrive $0xFFFF;
	s2 =	simm.s32 @!p0 $0x1C01  }
0x50: {  	[timem:s3], [sflag:s2] =	dma.local @!p0 [hbm:s0], s1  }
0x51: {  	s0 =	simm.s32 @!p0 $0x1  }
0x52: {  	_ =	swait.ge @!p0 [sflag:s0], s1  }
0x53: {  	s1 =	ssub.s32 @!p0 $0x0, s1;
	[sflag:s0] =	ssyncset.done @!p0 $0x0  }
0x54: {  	[sflag:s0] =	ssyncadd.s32 @!p0 s1  }
0x55: {  	[bflag:$0x3] =	sbarrier.arrive $0xFFFF  }
0x56: {  	_ =	shalt  }

// kernel: gather_offload_async_start.4
scs
__scs_entry_jumppad:
0x0: {  	(pc) =	sbr.rel $0x88, $3  }
0x1: {  	(tag) =	ssettag $0x0;
	lr =	simm.s32 $0x1  }
0x2: {  	[smem:$0x3F9E] =	sst lr;
	_ =	strace $0xD0000000  }
0x3: {  	_ = 	snop  }
0x4: {  	_ = 	snop  }
0x5: {  	_ = 	snop  }
0x6: {  	_ = 	snop  }
0x7: {  	_ = 	snop  }
__scs_overlays_trampoline_lowered:
0x8: {  	[smem:$0x3FAD] =	sst s0  }
0x9: {  	[smem:$0x3FAE] =	sst s1  }
0xa: {  	[smem:$0x3FAF] =	sst s2  }
0xb: {  	[smem:$0x3FB0] =	sst s3  }
0xc: {  	[smem:$0x3FB1] =	sst s4  }
0xd: {  	[smem:$0x3FB2] =	sst s5  }
0xe: {  	[smem:$0x3FB3] =	sst s6  }
0xf: {  	[smem:$0x3FB4] =	sst s7  }
0x10: {  	[smem:$0x3FB5] =	sst s8  }
0x11: {  	[smem:$0x3FB6] =	sst s9;
	s0 =	simm.s32 @!p0 $0x0  }
0x12: {  	s1 =	sld [smem:$0x3F9C];
	s0 =	simm.s32 @p0 $0x1  }
0x13: {  	[smem:$0x3FB7] =	sst s0;
	s0 =	simm.s32 @!p1 $0x0  }
0x14: {  	s2 =	sld [smem:$0x3F9B];
	s0 =	simm.s32 @p1 $0x1  }
0x15: {  	[smem:$0x3FB8] =	sst s0;
	s0 =	simm.s32 @!p2 $0x0  }
0x16: {  	s3 =	sld [smem:$0x3FDB];
	s0 =	simm.s32 @p2 $0x1  }
0x17: {  	s4 =	simm.s32 $0x1BF5;
	[smem:$0x3FBA] =	sst s0  }
0x18: {  	s0 =	sld [smem:$0x3F9D];
	_ =	swait.ge [sflag:s4], $0x0  }
0x19: {  	s7 =	sld [smem:$0x3F9E]  }
0x1a: {  	s8 =	sadd.s32 $0xFFFFE003, lr  }
0x1b: {  	s9 =	sadd.s32 $0xFFFFFEF7, lr;
	s5 =	simm.s32 $0xFFFFFFFF;
	p2 =	slt.u32 s8, $0xFFFFF086  }
0x1c: {  	p1 =	slt.u32 s9, $0xF7A;
	s5 =	simm.s32 @!p2 $0x0  }
0x1d: {  	s5 =	simm.s32 @p1 $0x1;
	p0 =	seq.s32 s7, s2  }
0x1e: {  	s7 =	smul.u32 @!p0 $0xF7A, s2;
	p2 =	seq.s32 @!p0 s5, $0x0  }
0x1f: {  	s9 =	smul.u32 $0xF7A, s1;
	s8 =	simm.s32 @!p0 $0x1BF5;
	p2 =	por !p2, p0  }
0x20: {  	[sflag:s8] =	ssyncset.s32 @!p0 $0xFFFFF086;
	s6 =	sadd.s32 @!p0 s3, s7;
	s7 =	simm.s32 @!p0 $0x108  }
0x21: {  	s3 =	sadd.s32 s3, s9;
	s6 =	sadd.s32 @!p0 $0x88, s6;
	s7 =	simm.s32 @p2 $0x1082  }
0x22: {  	[simem:s7], [sflag:s8] =	dma.local @!p0 [hbm:s6], $0xF7A  }
0x23: {  	s9 =	sor.u32 $0xD0000000, s2;
	s6 =	simm.s32 $0x108;
	_ =	swait.ge @!p0 [sflag:s8], $0x0  }
0x24: {  	s3 =	sadd.s32 $0x88, s3;
	s6 =	simm.s32 @!p1 $0x1082;
	[sflag:s4] =	ssyncset.s32 $0xFFFFF086  }
0x25: {  	[simem:s6], [sflag:s4] =	dma.local [hbm:s3], $0xF7A  }
0x26: {  	[smem:$0x3F9E] =	sst s1;
	(tag) =	ssettag s2;
	_ =	strace s9  }
0x27: {  	s1 =	sld [smem:$0x3FAE]  }
0x28: {  	s2 =	sld [smem:$0x3FAF]  }
0x29: {  	s4 =	sld [smem:$0x3FB1]  }
0x2a: {  	p0 =	seq.s32 s5, $0x0;
	s5 =	sld [smem:$0x3FB2]  }
0x2b: {  	s6 =	sld [smem:$0x3FB3]  }
0x2c: {  	s7 =	sld [smem:$0x3FB4]  }
0x2d: {  	s3 =	simm.s32 $0x108;
	s8 =	sld [smem:$0x3FB5]  }
0x2e: {  	s3 =	simm.s32 @!p0 $0x1082;
	s9 =	sld [smem:$0x3FB6]  }
0x2f: {  	lr =	sadd.s32 s0, s3;
	s0 =	sld [smem:$0x3FAD]  }
0x30: {  	s3 =	sld [smem:$0x3FB0]  }
0x31: {  	[smem:$0x3FB9] =	sst s10  }
0x32: {  	s10 =	sld [smem:$0x3FB7];
	_ =	sdelay $0x3  }
0x33: {  	p0 =	seq.s32 s10, $0x1;
	s10 =	sld [smem:$0x3FB9];
	_ =	sdelay $0x3  }
0x34: {  	[smem:$0x3FB9] =	sst s10  }
0x35: {  	s10 =	sld [smem:$0x3FB8];
	_ =	sdelay $0x3  }
0x36: {  	p1 =	seq.s32 s10, $0x1;
	s10 =	sld [smem:$0x3FB9];
	_ =	sdelay $0x3  }
0x37: {  	[smem:$0x3FB9] =	sst s10  }
0x38: {  	s10 =	sld [smem:$0x3FBA]  }
0x39: {  	_ = 	snop;
	(pc) =	sbr.ind lr, $3  }
0x3a: {  	_ = 	snop  }
0x3b: {  	_ = 	snop  }
0x3c: {  	p2 =	seq.s32 s10, $0x1;
	s10 =	sld [smem:$0x3FB9]  }
0x3d: {  	_ =	shalt  }
0x3e: {  	_ =	shalt  }
0x3f: {  	_ =	shalt  }
0x40: {  	_ =	shalt  }
0x41: {  	_ =	shalt  }
0x42: {  	_ =	shalt  }
0x43: {  	_ =	shalt  }
0x44: {  	_ =	shalt  }
0x45: {  	_ =	shalt  }
0x46: {  	_ =	shalt  }
0x47: {  	_ =	shalt  }
0x48: {  	_ =	shalt  }
0x49: {  	_ =	shalt  }
0x4a: {  	_ =	shalt  }
0x4b: {  	_ =	shalt  }
0x4c: {  	_ =	shalt  }
0x4d: {  	_ =	shalt  }
0x4e: {  	_ =	shalt  }
0x4f: {  	_ =	shalt  }
0x50: {  	_ =	shalt  }
0x51: {  	_ =	shalt  }
0x52: {  	_ =	shalt  }
0x53: {  	_ =	shalt  }
0x54: {  	_ =	shalt  }
0x55: {  	_ =	shalt  }
0x56: {  	_ =	shalt  }
0x57: {  	_ =	shalt  }
0x58: {  	_ =	shalt  }
0x59: {  	_ =	shalt  }
0x5a: {  	_ =	shalt  }
0x5b: {  	_ =	shalt  }
0x5c: {  	_ =	shalt  }
0x5d: {  	_ =	shalt  }
0x5e: {  	_ =	shalt  }
0x5f: {  	_ =	shalt  }
0x60: {  	_ =	shalt  }
0x61: {  	_ =	shalt  }
0x62: {  	_ =	shalt  }
0x63: {  	_ =	shalt  }
0x64: {  	_ =	shalt  }
0x65: {  	_ =	shalt  }
0x66: {  	_ =	shalt  }
0x67: {  	_ =	shalt  }
0x68: {  	_ =	shalt  }
0x69: {  	_ =	shalt  }
0x6a: {  	_ =	shalt  }
0x6b: {  	_ =	shalt  }
0x6c: {  	_ =	shalt  }
0x6d: {  	_ =	shalt  }
0x6e: {  	_ =	shalt  }
0x6f: {  	_ =	shalt  }
0x70: {  	_ =	shalt  }
0x71: {  	_ =	shalt  }
0x72: {  	_ =	shalt  }
0x73: {  	_ =	shalt  }
0x74: {  	_ =	shalt  }
0x75: {  	_ =	shalt  }
0x76: {  	_ =	shalt  }
0x77: {  	_ =	shalt  }
0x78: {  	_ =	shalt  }
0x79: {  	_ =	shalt  }
0x7a: {  	_ =	shalt  }
0x7b: {  	_ =	shalt  }
0x7c: {  	_ =	shalt  }
0x7d: {  	_ =	shalt  }
0x7e: {  	_ =	shalt  }
0x7f: {  	_ =	shalt  }
0x80: {  	_ =	shalt  }
0x81: {  	_ =	shalt  }
0x82: {  	_ =	shalt  }
0x83: {  	_ =	shalt  }
0x84: {  	_ =	shalt  }
0x85: {  	_ =	shalt  }
0x86: {  	_ =	shalt  }
0x87: {  	_ =	shalt  }
.Lfunc_end0:
.L_simem_size_0:
called_computation.4_lowered:
.L_overlay_start_0:
0x88: {  	s2 =	sld [smem:$0x3FD9]  }
0x89: {  	s3 =	sld [smem:$0x3FFE];
	_ =	sdelay $0x1  }
0x8a: {  	s1 =	srdreg.scid  }
0x8b: {  	s0 =	sand.u32 $0x1, s1  }
0x8c: {  	s16 =	sshll.u32 s0, $0xA;
	s2 =	sadd.s32 s3, s2  }
0x8d: {  	s2 =	sadd.s32 s2, s16  }
0x8e: {  	[smem:$0x3FC5] =	sst s2  }
0x8f: {  	_ = 	snop  }
0x90: {  	(tm) =	ssettm $0x1  }
0x91: {  	s17 =	sld [smem:$0x3FFB];
	_ =	sdelay $0x3  }
0x92: {  	_ =	strace s17  }
0x93: {  	s2 =	sld [smem:$0x3FFC];
	_ =	sdelay $0x3  }
0x94: {  	_ =	strace s2  }
0x95: {  	s2 =	sld [smem:$0x3FFD];
	_ =	sdelay $0x3  }
0x96: {  	_ =	strace s2  }
0x97: {  	_ =	strace $0x8FFFFFFF  }
0x98: {  	s18 =	sld [smem:$0x3FDB];
	_ =	sdelay $0x1  }
0x99: {  	s19 =	simm.s32 $_scs_section_size  }
0x9a: {  	s4 =	simm.s32 $_size__tile_overlayer_lowered;
	s5 =	simm.s32 $_tile_overlayer_lowered  }
0x9b: {  	s22 =	simm.s32 $0x1BFF;
	s21 =	sshll.u32 s5, $0x1;
	s2 =	sadd.s32 s19, s18  }
0x9c: {  	s6 =	simm.s32 $0x0;
	s20 =	sshll.u32 s4, $0x1;
	s4 =	sadd.s32 s21, s2  }
0x9d: {  	[timem:s6], [sflag:s22] =	dma.local [hbm:s4], s20  }
0x9e: {  	_ =	swait.ge [sflag:s22], s20  }
0x9f: {  	s3 =	ssub.s32 $0x0, s20;
	[sflag:s22] =	ssyncset.done $0x0  }
0xa0: {  	[sflag:s22] =	ssyncadd.s32 s3;
	_ =	sdelay $0x1  }
0xa1: {  	s23 =	simm.s32 $0x1B8B  }
0xa2: {  	_ =	swait.ge [sflag:s23], $0x1  }
0xa3: {  	[sflag:s23] =	ssyncset.done $0x0  }
0xa4: {  	s25 =	simm.s32 $0x1B8E;
	s24 =	sld [smem:$0x3FFE];
	[sflag:s23] =	ssyncadd.s32 $0xFFFFFFFF  }
0xa5: {  	s26 =	simm.s32 $execute0_lowered;
	[smem:$0x3FD2] =	sst s25  }
0xa6: {  	s4 =	sshll.u32 s26, $0x1;
	_ =	strace $0x80000046;
	[dreg:$0x1] =	wrdreg $0xFFFFFFFF  }
0xa7: {  	s28 =	simm.s32 $_size_execute0_lowered;
	s2 =	sadd.s32 s2, s4;
	[dreg:$0x0] =	wrdreg $0x0  }
0xa8: {  	s4 =	sshll.u32 s28, $0x1;
	[dreg:$0x2] =	wrdreg s2  }
0xa9: {  	[dreg:$0x3] =	wrdreg s4  }
0xaa: {  	[dreg:$0x4] =	wrdreg $0xC0  }
0xab: {  	_ =	task [dreg:s6], $0x5FFFF  }
0xac: {  	[dreg:$0x1] =	wrdreg $0xFFFFFFFF  }
0xad: {  	[dreg:$0x0] =	wrdreg $0x60  }
0xae: {  	[dreg:$0x2] =	wrdreg s24  }
0xaf: {  	[dreg:$0x3] =	wrdreg $0x9  }
0xb0: {  	_ =	task.clear_ibuf [dreg:s6], $0x4FFFF;
	_ =	strace $0x90000046  }
0xb1: {  	s29 =	simm.s32 $0x9;
	_ =	strace $0x80000048  }
0xb2: {  	_ =	swait.ge [sflag:s29], $0x1  }
0xb3: {  	[sflag:s29] =	ssyncadd.s32 $0xFFFFFFFF  }
0xb4: {  	_ =	strace $0x90000048  }
0xb5: {  	_ =	sfence  }
0xb6: {  	s30 =	sld [smem:$0x0];
	_ =	sdelay $0x2  }
0xb7: {  	s31 =	sshll.u32 s1, $0xD;
	s1 =	sshrl.u32 s1, $0x2  }
0xb8: {  	s3 =	sand.u32 $0x4000, s31;
	s1 =	sadd.s32 s1, s30  }
0xb9: {  	s0 =	sor.u32 s3, s0;
	s1 =	sshll.u32 s1, $0x11  }
0xba: {  	s0 =	sor.u32 s1, s0  }
0xbb: {  	s0 =	sadd.s32 $0x8F2B, s0  }
0xbc: {  	[sflag:s0] =	ssyncadd.remote.s32 $0x1  }
0xbd: {  	_ =	sfence.sel $0xFFFF  }
0xbe: {  	[dreg:$0x0] =	wrdreg $0xFFFFFFFF;
	(pc) =	sbr.abs _section_cstart, $3  }
0xbf: {  	[dreg:$0x1] =	wrdreg $0xFFFFFFFF  }
0xc0: {  	_ =	task.clear_ibuf [dreg:s6], $0x2FFFF;
	_ =	strace $0x9FFFFFFF  }
0xc1: {  	(tm) =	ssettm $0x7FFFFFFF  }
tec
execute0_lowered:
.L_overlay_start_1:
0x0: {  	(tag) =	ssettag $0x1  }
0x1: {  	s2 =	rddreg [dreg:$0x0]  }
0x2: {  	s0 =	rddreg [dreg:$0x1];
	s1 =	stileid.u32  }
0x3: {  	s3 =	srdreg.scid;
	_ =	strace $0x80000047;
	s4 =	simm.s32 $0x1  }
0x4: {  	s7 =	simm.s32 $0x1;
	s8 =	simm.s32 $0x1;
	s9 =	simm.s32 $0x3  }
0x5: {  	s10 =	simm.s32 $0x0;
	s5 =	sand.u32 $0x1, s3;
	s6 =	sshll.u32 s1, $0x1  }
0x6: {  	s13 =	simm.s32 $0x0;
	s12 =	simm.s32 $0x0;
	s5 =	sor.u32 s6, s5  }
.Ltmp0:
0x7: {  	[sflag:s4] =	ssyncpa.u1 $0x0;
	p0 =	slt.u32 s5, $0x9;
	(pc) =	sbr.rel .LBB2_1-.Ltmp0, $4  }
0x8: {  	s6 =	simm.s32 $0x2;
	s7 =	simm.s32 @!p0 $0x0;
	p0 =	sne.s32 s5, $0x8  }
0x9: {  	[sflag:s6] =	ssyncpa.u1 $0x0;
	s5 =	smul.u32 $0x7D0, s5;
	s8 =	simm.s32 @!p0 $0x0  }
0xa: {  	s3 =	sadd.s32 $0x18000, s2;
	[sflag:s9] =	ssyncpa.u1 $0x0;
	s7 =	sadd.s32 s8, s7  }
0xb: {  	vm0 =	vmmov $0xffff;
	s8 =	sadd.s32 $0x1A800, s2;
	s11 =	smov.u32 s5;
	s9 =	sadd.s32 $0x1, s7  }
.LBB2_4:
0xc: {  	vm1 =	veq.s32 v1, $0x80000000;
	v5 =	vand.u32 $0x7F, v1;
	v60 =	vand.u32 $0x1FF80, v1  }
0xd: {  	v5 =	vsel vm1, $0xFFFFFFFF, v5;
	v1 =	vsel vm1, $0xFFFFFF80, v60  }
0xe: {  	v3 =	vor.u32 v4, v3;
	v61 =	vand.u32 $0xFFFFFC00, v1;
	v6 =	vand.u32 $0xFFFFFC00, v5  }
0xf: {  	v2 =	vor.u32 v2, v3;
	v1 =	vand.u32 $0x380, v1;
	v62 =	vadd.s32 v6, v61  }
0x10: {  	v63 =	vand.u32 $0x7F, v5;
	v1 =	vor.u32 v1, v62  }
0x11: {  	v1 =	vor.u32 v63, v1  }
0x12: {  	[tilespmem:s18], [sflag:$0x1] =	stream.indirect_vreg.gather [hbm4b:s2+s10], $0x1, v0, vm0, $0x4038;
	[tilespmem:$0x1F40] =	vst v63  }
0x13: {  	(ifvalue) =	ssetifvalue $0x7FFFFFFF  }
0x14: {  	[tilespmem:s15], [sflag:$0x1] =	stream.indirect_vreg.gather [hbm4b:s2+s10], $0x1, v2, vm0, $0x4038;
	[tilespmem:$0x1F40] =	vst v63  }
0x15: {  	s29 =	sadd.s32 $0x10, s15;
	(ifvalue) =	ssetifvalue $0x7FFFFFFF  }
0x16: {  	[tilespmem:s29], [sflag:$0x1] =	stream.indirect_vreg.gather [hbm4b:s2+s10], $0x1, v1, vm0, $0x4038;
	[tilespmem:$0x1F40] =	vst v63  }
0x17: {  	_ =	swait.ge [sflag:s4], $0x7D0  }
0x18: {  	s30 =	sshrl.u32 s13, $0x3;
	[sflag:s4] =	ssyncset.done $0x0  }
0x19: {  	s31 =	sand.u32 $0x7, s13;
	s15 =	sadd.s32 s8, s30;
	[sflag:s4] =	ssyncadd.s32 $0xFFFFF830  }
0x1a: {  	[hbm4b:s15+s31] =	stream.linear.scatter [tilespmem:s14], [sflag:$0x3], $0x7D0, $0x38;
	[tilespmem:$0x1F40] =	vst v63  }
.LBB2_5:
0x1b: {  	s15 =	sadd.s32 $0xFA00, s11  }
0x1c: {  	p1 =	sgt.s32 s15, $0x1387F  }
0x1d: {  	s15 =	smov.u32 @p1 s5;
	p1 =	sne.s32 s12, s9  }
.Ltmp1:
0x1e: {  	p0 =	slt.u32 s12, $0x2;
	(pc) =	sbr.rel @!p1 .LBB2_6-.Ltmp1, $4  }
0x1f: {  	s14 =	simm.s32 @!p0 $0x3  }
0x20: {  	_ =	swait.ge @!p0 [sflag:s14], $0x7D0  }
0x21: {  	s16 =	sadd.s32 $0x1, s12;
	s13 =	smov.u32 s11;
	[sflag:s14] =	ssyncset.done @!p0 $0x0  }
0x22: {  	s12 =	smov.u32 s16;
	s11 =	smov.u32 s15;
	[sflag:s14] =	ssyncadd.s32 @!p0 $0xFFFFF830  }
.LBB2_1:
0x23: {  	p0 =	sge.u32 s12, s7  }
0x24: {  	s14 =	sxor.u32 @!p0 $0x1, s12  }
0x25: {  	s14 =	smul.u32 @!p0 $0x1F40, s14  }
0x26: {  	s31 =	sadd.s32 $0xFFFFFFFF, s12;
	s15 =	sshrl.u32 @!p0 s11, $0x3  }
0x27: {  	s16 =	sand.u32 @!p0 $0x7, s11;
	s15 =	sadd.s32 @!p0 s3, s15;
	s14 =	sshra.s32 @!p0 s14, $0x2  }
0x28: {  	[tilespmem:s14], [sflag:$0x2] =	stream.linear.gather @!p0 [hbm4b:s15+s16], $0x7D0, $0x38;
	[tilespmem:$0x1F40] =	vst v63  }
0x29: {  	p0 =	sge.u32 s31, s7  }
.Ltmp2:
0x2a: {  	_ = 	snop;
	(pc) =	sbr.rel @p0 .LBB2_5-.Ltmp2, $1  }
0x2b: {  	_ =	sdelay $0x3  }
0x2c: {  	s14 =	sand.u32 $0x1, s12  }
0x2d: {  	_ =	swait.ge [sflag:s6], $0x7D0;
	p0 =	seq.s32 s14, $0x1;
	s14 =	simm.s32 $0x7D0  }
0x2e: {  	[sflag:s6] =	ssyncset.done $0x0;
	s14 =	simm.s32 @!p0 $0x0  }
0x2f: {  	[sflag:s6] =	ssyncadd.s32 $0xFFFFF830;
	(ifvalue) =	ssetifvalue $0x7FFFFFFF;
	v0 =	vld.msk [tilespmem:s14+$0x0 ss:$0x1], $0xffff;
	_ =	sdelay $0x4  }
0x30: {  	s15 =	sadd.s32 $0x10, s14;
	vm1 =	veq.s32 v0, $0x80000000;
	v2 =	vand.u32 $0x7F, v0;
	v0 =	vand.u32 $0x1FF80, v0  }
0x31: {  	v1 =	vld.msk [tilespmem:s15+$0x0 ss:$0x1], $0xffff;
	v2 =	vsel vm1, $0xFFFFFFFF, v2;
	v0 =	vsel vm1, $0xFFFFFF80, v0  }
0x32: {  	v3 =	vand.u32 $0xFFFFFC00, v0;
	v4 =	vand.u32 $0xFFFFFC00, v2  }
0x33: {  	v0 =	vand.u32 $0x380, v0;
	v3 =	vadd.s32 v4, v3  }
0x34: {  	v2 =	vand.u32 $0x7F, v2;
	v0 =	vor.u32 v0, v3  }
0x35: {  	v0 =	vor.u32 v2, v0  }
0x36: {  	vm1 =	veq.s32 v1, $0x80000000;
	v4 =	vand.u32 $0x7F, v1;
	v1 =	vand.u32 $0x1FF80, v1  }
0x37: {  	v3 =	vsel vm1, $0xFFFFFFFF, v4;
	v4 =	vsel vm1, $0xFFFFFF80, v1  }
0x38: {  	s17 =	simm.s32 $0x20;
	s14 =	sadd.s32 $0xFA0, s14;
	s16 =	sadd.s32 $0x10, s15;
	v5 =	vand.u32 $0xFFFFFC00, v4;
	v6 =	vand.u32 $0xFFFFFC00, v3  }
0x39: {  	s15 =	sadd.s32 $0x10, s14;
	s18 =	smov.u32 s14;
	v1 =	vld.msk [tilespmem:s16+$0x0 ss:$0x1], $0xffff;
	(ifvalue) =	ssetifvalue $0x7FFFFFFF;
	v2 =	vand.u32 $0x7F, v3;
	v4 =	vand.u32 $0x380, v4;
	v3 =	vadd.s32 v6, v5  }
.LBB2_3:
0x3a: {  	[tilespmem:s18], [sflag:$0x1] =	stream.indirect_vreg.gather [hbm4b:s2+s10], $0x1, v0, vm0, $0x4038;
	[tilespmem:$0x1F40] =	vst v63  }
0x3b: {  	s17 =	sadd.s32 $0x10, s17  }
0x3c: {  	v3 =	vor.u32 v4, v3;
	p0 =	slt.u32 s17, $0x7C0  }
.Ltmp3:
0x3d: {  	s16 =	sadd.s32 $0x10, s16;
	v0 =	vor.u32 v2, v3;
	(pc) =	sbr.rel @p0 .LBB2_3-.Ltmp3, $4  }
0x3e: {  	vm1 =	veq.s32 v1, $0x80000000;
	s18 =	smov.u32 s15;
	v2 =	vand.u32 $0x7F, v1;
	v3 =	vand.u32 $0x1FF80, v1;
	v1 =	vld.msk [tilespmem:s16+$0x0 ss:$0x1], $0xffff  }
0x3f: {  	v4 =	vsel vm1, $0xFFFFFFFF, v2;
	v5 =	vsel vm1, $0xFFFFFF80, v3  }
0x40: {  	v2 =	vand.u32 $0x7F, v4;
	v3 =	vand.u32 $0xFFFFFC00, v5;
	v4 =	vand.u32 $0xFFFFFC00, v4  }
0x41: {  	s15 =	sadd.s32 $0x10, s15;
	v3 =	vadd.s32 v4, v3;
	v4 =	vand.u32 $0x380, v5;
	(ifvalue) =	ssetifvalue $0x7FFFFFFF  }
.Ltmp4:
0x42: {  	_ = 	snop;
	(pc) =	sbr.rel .LBB2_4-.Ltmp4, $1  }
0x43: {  	_ =	sdelay $0x3  }
.LBB2_6:
0x44: {  	_ =	sfence.sel $0x180000  }
0x45: {  	s2 =	simm.s32 $0x2;
	[bflag:$0x0] =	sbarrier.arrive $0xFFFF  }
0x46: {  	s30 =	simm.s32 $0x3;
	[sflag:s2] =	ssyncpa.u1 $0x1  }
0x47: {  	s31 =	simm.s32 $0x1;
	[sflag:s30] =	ssyncpa.u1 $0x1  }
0x48: {  	[sflag:s31] =	ssyncpa.u1 $0x1  }
0x49: {  	p0 =	sne.s32 s1, $0x0;
	_ =	strace $0x90000047  }
0x4a: {  	s0 =	sadd.s32 @!p0 $0x100000, s0;
	[bflag:$0x2] =	sbarrier.arrive $0xFFFF  }
0x4b: {  	[sflag:s0] =	ssyncadd.tile.s32 @!p0 $0x1;
	_ =	shalt  }
.Lfunc_end2:
_tile_overlayer_lowered:
.L_overlay_start_2:
0x4c: {  	(tag) =	ssettag $0x2  }
0x4d: {  	s0 =	rddreg [dreg:$0x0];
	s2 =	stileid.u32  }
0x4e: {  	s1 =	rddreg [dreg:$0x1];
	p0 =	sne.s32 s2, $0x0  }
0x4f: {  	s3 =	rddreg [dreg:$0x2];
	[bflag:$0x3] =	sbarrier.arrive $0xFFFF;
	s2 =	simm.s32 @!p0 $0x1C01  }
0x50: {  	[timem:s3], [sflag:s2] =	dma.local @!p0 [hbm:s0], s1  }
0x51: {  	s0 =	simm.s32 @!p0 $0x1  }
0x52: {  	_ =	swait.ge @!p0 [sflag:s0], s1  }
0x53: {  	s1 =	ssub.s32 @!p0 $0x0, s1;
	[sflag:s0] =	ssyncset.done @!p0 $0x0  }
0x54: {  	[sflag:s0] =	ssyncadd.s32 @!p0 s1  }
0x55: {  	[bflag:$0x3] =	sbarrier.arrive $0xFFFF  }
0x56: {  	_ =	shalt  }

// kernel: gather_offload_async_start
scs
__scs_entry_jumppad:
0x0: {  	(pc) =	sbr.rel $0x88, $3  }
0x1: {  	(tag) =	ssettag $0x0;
	lr =	simm.s32 $0x1  }
0x2: {  	[smem:$0x3F9E] =	sst lr;
	_ =	strace $0xD0000000  }
0x3: {  	_ = 	snop  }
0x4: {  	_ = 	snop  }
0x5: {  	_ = 	snop  }
0x6: {  	_ = 	snop  }
0x7: {  	_ = 	snop  }
__scs_overlays_trampoline_lowered:
0x8: {  	[smem:$0x3FAD] =	sst s0  }
0x9: {  	[smem:$0x3FAE] =	sst s1  }
0xa: {  	[smem:$0x3FAF] =	sst s2  }
0xb: {  	[smem:$0x3FB0] =	sst s3  }
0xc: {  	[smem:$0x3FB1] =	sst s4  }
0xd: {  	[smem:$0x3FB2] =	sst s5  }
0xe: {  	[smem:$0x3FB3] =	sst s6  }
0xf: {  	[smem:$0x3FB4] =	sst s7  }
0x10: {  	[smem:$0x3FB5] =	sst s8  }
0x11: {  	[smem:$0x3FB6] =	sst s9;
	s0 =	simm.s32 @!p0 $0x0  }
0x12: {  	s1 =	sld [smem:$0x3F9C];
	s0 =	simm.s32 @p0 $0x1  }
0x13: {  	[smem:$0x3FB7] =	sst s0;
	s0 =	simm.s32 @!p1 $0x0  }
0x14: {  	s2 =	sld [smem:$0x3F9B];
	s0 =	simm.s32 @p1 $0x1  }
0x15: {  	[smem:$0x3FB8] =	sst s0;
	s0 =	simm.s32 @!p2 $0x0  }
0x16: {  	s3 =	sld [smem:$0x3FDB];
	s0 =	simm.s32 @p2 $0x1  }
0x17: {  	s4 =	simm.s32 $0x1BF5;
	[smem:$0x3FBA] =	sst s0  }
0x18: {  	s0 =	sld [smem:$0x3F9D];
	_ =	swait.ge [sflag:s4], $0x0  }
0x19: {  	s7 =	sld [smem:$0x3F9E]  }
0x1a: {  	s8 =	sadd.s32 $0xFFFFE003, lr  }
0x1b: {  	s9 =	sadd.s32 $0xFFFFFEF7, lr;
	s5 =	simm.s32 $0xFFFFFFFF;
	p2 =	slt.u32 s8, $0xFFFFF086  }
0x1c: {  	p1 =	slt.u32 s9, $0xF7A;
	s5 =	simm.s32 @!p2 $0x0  }
0x1d: {  	s5 =	simm.s32 @p1 $0x1;
	p0 =	seq.s32 s7, s2  }
0x1e: {  	s7 =	smul.u32 @!p0 $0xF7A, s2;
	p2 =	seq.s32 @!p0 s5, $0x0  }
0x1f: {  	s9 =	smul.u32 $0xF7A, s1;
	s8 =	simm.s32 @!p0 $0x1BF5;
	p2 =	por !p2, p0  }
0x20: {  	[sflag:s8] =	ssyncset.s32 @!p0 $0xFFFFF086;
	s6 =	sadd.s32 @!p0 s3, s7;
	s7 =	simm.s32 @!p0 $0x108  }
0x21: {  	s3 =	sadd.s32 s3, s9;
	s6 =	sadd.s32 @!p0 $0x88, s6;
	s7 =	simm.s32 @p2 $0x1082  }
0x22: {  	[simem:s7], [sflag:s8] =	dma.local @!p0 [hbm:s6], $0xF7A  }
0x23: {  	s9 =	sor.u32 $0xD0000000, s2;
	s6 =	simm.s32 $0x108;
	_ =	swait.ge @!p0 [sflag:s8], $0x0  }
0x24: {  	s3 =	sadd.s32 $0x88, s3;
	s6 =	simm.s32 @!p1 $0x1082;
	[sflag:s4] =	ssyncset.s32 $0xFFFFF086  }
0x25: {  	[simem:s6], [sflag:s4] =	dma.local [hbm:s3], $0xF7A  }
0x26: {  	[smem:$0x3F9E] =	sst s1;
	(tag) =	ssettag s2;
	_ =	strace s9  }
0x27: {  	s1 =	sld [smem:$0x3FAE]  }
0x28: {  	s2 =	sld [smem:$0x3FAF]  }
0x29: {  	s4 =	sld [smem:$0x3FB1]  }
0x2a: {  	p0 =	seq.s32 s5, $0x0;
	s5 =	sld [smem:$0x3FB2]  }
0x2b: {  	s6 =	sld [smem:$0x3FB3]  }
0x2c: {  	s7 =	sld [smem:$0x3FB4]  }
0x2d: {  	s3 =	simm.s32 $0x108;
	s8 =	sld [smem:$0x3FB5]  }
0x2e: {  	s3 =	simm.s32 @!p0 $0x1082;
	s9 =	sld [smem:$0x3FB6]  }
0x2f: {  	lr =	sadd.s32 s0, s3;
	s0 =	sld [smem:$0x3FAD]  }
0x30: {  	s3 =	sld [smem:$0x3FB0]  }
0x31: {  	[smem:$0x3FB9] =	sst s10  }
0x32: {  	s10 =	sld [smem:$0x3FB7];
	_ =	sdelay $0x3  }
0x33: {  	p0 =	seq.s32 s10, $0x1;
	s10 =	sld [smem:$0x3FB9];
	_ =	sdelay $0x3  }
0x34: {  	[smem:$0x3FB9] =	sst s10  }
0x35: {  	s10 =	sld [smem:$0x3FB8];
	_ =	sdelay $0x3  }
0x36: {  	p1 =	seq.s32 s10, $0x1;
	s10 =	sld [smem:$0x3FB9];
	_ =	sdelay $0x3  }
0x37: {  	[smem:$0x3FB9] =	sst s10  }
0x38: {  	s10 =	sld [smem:$0x3FBA]  }
0x39: {  	_ = 	snop;
	(pc) =	sbr.ind lr, $3  }
0x3a: {  	_ = 	snop  }
0x3b: {  	_ = 	snop  }
0x3c: {  	p2 =	seq.s32 s10, $0x1;
	s10 =	sld [smem:$0x3FB9]  }
0x3d: {  	_ =	shalt  }
0x3e: {  	_ =	shalt  }
0x3f: {  	_ =	shalt  }
0x40: {  	_ =	shalt  }
0x41: {  	_ =	shalt  }
0x42: {  	_ =	shalt  }
0x43: {  	_ =	shalt  }
0x44: {  	_ =	shalt  }
0x45: {  	_ =	shalt  }
0x46: {  	_ =	shalt  }
0x47: {  	_ =	shalt  }
0x48: {  	_ =	shalt  }
0x49: {  	_ =	shalt  }
0x4a: {  	_ =	shalt  }
0x4b: {  	_ =	shalt  }
0x4c: {  	_ =	shalt  }
0x4d: {  	_ =	shalt  }
0x4e: {  	_ =	shalt  }
0x4f: {  	_ =	shalt  }
0x50: {  	_ =	shalt  }
0x51: {  	_ =	shalt  }
0x52: {  	_ =	shalt  }
0x53: {  	_ =	shalt  }
0x54: {  	_ =	shalt  }
0x55: {  	_ =	shalt  }
0x56: {  	_ =	shalt  }
0x57: {  	_ =	shalt  }
0x58: {  	_ =	shalt  }
0x59: {  	_ =	shalt  }
0x5a: {  	_ =	shalt  }
0x5b: {  	_ =	shalt  }
0x5c: {  	_ =	shalt  }
0x5d: {  	_ =	shalt  }
0x5e: {  	_ =	shalt  }
0x5f: {  	_ =	shalt  }
0x60: {  	_ =	shalt  }
0x61: {  	_ =	shalt  }
0x62: {  	_ =	shalt  }
0x63: {  	_ =	shalt  }
0x64: {  	_ =	shalt  }
0x65: {  	_ =	shalt  }
0x66: {  	_ =	shalt  }
0x67: {  	_ =	shalt  }
0x68: {  	_ =	shalt  }
0x69: {  	_ =	shalt  }
0x6a: {  	_ =	shalt  }
0x6b: {  	_ =	shalt  }
0x6c: {  	_ =	shalt  }
0x6d: {  	_ =	shalt  }
0x6e: {  	_ =	shalt  }
0x6f: {  	_ =	shalt  }
0x70: {  	_ =	shalt  }
0x71: {  	_ =	shalt  }
0x72: {  	_ =	shalt  }
0x73: {  	_ =	shalt  }
0x74: {  	_ =	shalt  }
0x75: {  	_ =	shalt  }
0x76: {  	_ =	shalt  }
0x77: {  	_ =	shalt  }
0x78: {  	_ =	shalt  }
0x79: {  	_ =	shalt  }
0x7a: {  	_ =	shalt  }
0x7b: {  	_ =	shalt  }
0x7c: {  	_ =	shalt  }
0x7d: {  	_ =	shalt  }
0x7e: {  	_ =	shalt  }
0x7f: {  	_ =	shalt  }
0x80: {  	_ =	shalt  }
0x81: {  	_ =	shalt  }
0x82: {  	_ =	shalt  }
0x83: {  	_ =	shalt  }
0x84: {  	_ =	shalt  }
0x85: {  	_ =	shalt  }
0x86: {  	_ =	shalt  }
0x87: {  	_ =	shalt  }
.Lfunc_end0:
.L_simem_size_0:
called_computation_lowered:
.L_overlay_start_0:
0x88: {  	s2 =	sld [smem:$0x3FD9]  }
0x89: {  	s3 =	sld [smem:$0x3FFE];
	_ =	sdelay $0x1  }
0x8a: {  	s1 =	srdreg.scid  }
0x8b: {  	s0 =	sand.u32 $0x1, s1  }
0x8c: {  	s17 =	sshll.u32 s0, $0xA;
	s2 =	sadd.s32 s3, s2  }
0x8d: {  	s2 =	sadd.s32 s2, s17  }
0x8e: {  	[smem:$0x3FC5] =	sst s2  }
0x8f: {  	_ = 	snop  }
0x90: {  	(tm) =	ssettm $0x1  }
0x91: {  	s18 =	sld [smem:$0x3FFB];
	_ =	sdelay $0x3  }
0x92: {  	_ =	strace s18  }
0x93: {  	s2 =	sld [smem:$0x3FFC];
	_ =	sdelay $0x3  }
0x94: {  	_ =	strace s2  }
0x95: {  	s2 =	sld [smem:$0x3FFD];
	_ =	sdelay $0x3  }
0x96: {  	_ =	strace s2  }
0x97: {  	_ =	strace $0x8FFFFFFF  }
0x98: {  	s19 =	sld [smem:$0x3FDB];
	_ =	sdelay $0x1  }
0x99: {  	s20 =	simm.s32 $_scs_section_size  }
0x9a: {  	s4 =	simm.s32 $_size__tile_overlayer_lowered;
	s5 =	simm.s32 $_tile_overlayer_lowered  }
0x9b: {  	s6 =	simm.s32 $0x1BFF;
	s21 =	sshll.u32 s5, $0x1;
	s3 =	sadd.s32 s20, s19  }
0x9c: {  	s22 =	simm.s32 $0x0;
	s4 =	sshll.u32 s4, $0x1;
	s5 =	sadd.s32 s21, s3  }
0x9d: {  	[timem:s22], [sflag:s6] =	dma.local [hbm:s5], s4  }
0x9e: {  	_ =	swait.ge [sflag:s6], s4  }
0x9f: {  	s4 =	ssub.s32 $0x0, s4;
	[sflag:s6] =	ssyncset.done $0x0  }
0xa0: {  	[sflag:s6] =	ssyncadd.s32 s4;
	_ =	sdelay $0x1  }
0xa1: {  	s23 =	simm.s32 $0x1B8B  }
0xa2: {  	_ =	swait.ge [sflag:s23], $0x1  }
0xa3: {  	[sflag:s23] =	ssyncset.done $0x0  }
0xa4: {  	[sflag:s23] =	ssyncadd.s32 $0xFFFFFFFF  }
0xa5: {  	s4 =	sld [smem:$0x0]  }
0xa6: {  	s5 =	sand.u32 $0xFFFFFFFE, s1  }
0xa7: {  	p0 =	sne.s32 s1, s5  }
0xa8: {  	s5 =	sshll.u32 @p0 s5, $0xE  }
0xa9: {  	s5 =	sadd.s32 @p0 $0x11B8D, s5;
	s6 =	sshll.u32 @p0 s4, $0x11  }
0xaa: {  	s5 =	sor.u32 @p0 s6, s5  }
0xab: {  	[sflag:s5] =	ssyncadd.remote.s32 @p0 $0x1;
	_ =	sdelay $0x1  }
0xac: {  	s5 =	simm.s32 @p0 $0x1B8D  }
0xad: {  	_ =	swait.eq @p0 [sflag:s5], $0x1  }
0xae: {  	[sflag:s5] =	ssyncadd.s32 @p0 $0xFFFFFFFF  }
0xaf: {  	s6 =	sshll.u32 @!p0 s1, $0xE  }
0xb0: {  	s6 =	sor.u32 @!p0 $0x4000, s6;
	s5 =	simm.s32 @!p0 $0x1B8D  }
0xb1: {  	s4 =	sshll.u32 @!p0 s4, $0x11;
	s6 =	sadd.s32 @!p0 $0x11B8D, s6;
	_ =	swait.eq @!p0 [sflag:s5], $0x1  }
0xb2: {  	s4 =	sor.u32 @!p0 s4, s6;
	[sflag:s5] =	ssyncadd.s32 @!p0 $0xFFFFFFFF  }
0xb3: {  	s25 =	simm.s32 $0x1B8E;
	s24 =	sld [smem:$0x3FFE];
	[sflag:s4] =	ssyncadd.remote.s32 @!p0 $0x1  }
0xb4: {  	s26 =	simm.s32 $execute0_lowered;
	[smem:$0x3FD2] =	sst s25  }
0xb5: {  	s5 =	sshll.u32 s26, $0x1;
	_ =	strace $0x80000052;
	[dreg:$0x1] =	wrdreg $0xFFFFFFFF  }
0xb6: {  	s28 =	simm.s32 $_size_execute0_lowered;
	s3 =	sadd.s32 s3, s5;
	[dreg:$0x0] =	wrdreg $0x0  }
0xb7: {  	s5 =	sshll.u32 s28, $0x1;
	[dreg:$0x2] =	wrdreg s3  }
0xb8: {  	[dreg:$0x3] =	wrdreg s5  }
0xb9: {  	[dreg:$0x4] =	wrdreg $0xC0  }
0xba: {  	_ =	task [dreg:s22], $0x5FFFF  }
0xbb: {  	[dreg:$0x1] =	wrdreg $0xFFFFFFFF  }
0xbc: {  	[dreg:$0x0] =	wrdreg $0x60  }
0xbd: {  	[dreg:$0x2] =	wrdreg s24  }
0xbe: {  	[dreg:$0x3] =	wrdreg $0x9  }
0xbf: {  	_ =	task.clear_ibuf [dreg:s22], $0x4FFFF;
	_ =	strace $0x90000052  }
0xc0: {  	s29 =	simm.s32 $0x9;
	_ =	strace $0x80000054  }
0xc1: {  	_ =	swait.ge [sflag:s29], $0x1  }
0xc2: {  	[sflag:s29] =	ssyncadd.s32 $0xFFFFFFFF  }
0xc3: {  	_ =	strace $0x90000054  }
0xc4: {  	_ =	sfence  }
0xc5: {  	s30 =	sld [smem:$0x0];
	_ =	sdelay $0x2  }
0xc6: {  	s31 =	sshll.u32 s1, $0xD;
	s1 =	sshrl.u32 s1, $0x2  }
0xc7: {  	s4 =	sand.u32 $0x4000, s31;
	s1 =	sadd.s32 s1, s30  }
0xc8: {  	s0 =	sor.u32 s4, s0;
	s1 =	sshll.u32 s1, $0x11  }
0xc9: {  	s0 =	sor.u32 s1, s0  }
0xca: {  	s0 =	sadd.s32 $0x8F2B, s0  }
0xcb: {  	[sflag:s0] =	ssyncadd.remote.s32 $0x1  }
0xcc: {  	_ =	sfence.sel $0xFFFF  }
0xcd: {  	[dreg:$0x0] =	wrdreg $0xFFFFFFFF;
	(pc) =	sbr.abs _section_cstart, $3  }
0xce: {  	[dreg:$0x1] =	wrdreg $0xFFFFFFFF  }
0xcf: {  	_ =	task.clear_ibuf [dreg:s22], $0x2FFFF;
	_ =	strace $0x9FFFFFFF  }
0xd0: {  	(tm) =	ssettm $0x7FFFFFFF  }
0xd1: {  	_ =	shalt  }
tec
execute0_lowered:
.L_overlay_start_1:
0x0: {  	(tag) =	ssettag $0x1  }
0x1: {  	s8 =	rddreg [dreg:$0x0]  }
0x2: {  	s0 =	rddreg [dreg:$0x1];
	_ =	strace $0x80000053;
	s1 =	stileid.u32  }
0x3: {  	s3 =	srdreg.scid;
	s4 =	simm.s32 $0x1;
	s7 =	simm.s32 $0x1  }
0x4: {  	s9 =	simm.s32 $0x1;
	s10 =	simm.s32 $0x3;
	s13 =	simm.s32 $0x0  }
0x5: {  	s12 =	simm.s32 $0x0;
	s5 =	sand.u32 $0x1, s3;
	s6 =	sshll.u32 s1, $0x1  }
0x6: {  	s2 =	sadd.s32 $0x4000, s8;
	s3 =	sadd.s32 $0x18000, s8;
	s5 =	sor.u32 s6, s5  }
.Ltmp0:
0x7: {  	[sflag:s4] =	ssyncpa.u1 $0x0;
	p0 =	slt.u32 s5, $0x9;
	(pc) =	sbr.rel .LBB2_1-.Ltmp0, $4  }
0x8: {  	s6 =	simm.s32 $0x2;
	s7 =	simm.s32 @!p0 $0x0;
	p0 =	sne.s32 s5, $0x8  }
0x9: {  	[sflag:s6] =	ssyncpa.u1 $0x0;
	s5 =	smul.u32 $0x7D0, s5;
	s9 =	simm.s32 @!p0 $0x0  }
0xa: {  	s8 =	sadd.s32 $0x1F800, s8;
	[sflag:s10] =	ssyncpa.u1 $0x0;
	s7 =	sadd.s32 s9, s7  }
0xb: {  	vm0 =	vmmov $0xffff;
	s10 =	simm.s32 $0x0;
	s11 =	smov.u32 s5;
	s9 =	sadd.s32 $0x1, s7  }
.LBB2_4:
0xc: {  	vm1 =	veq.s32 v1, $0x80000000;
	v5 =	vand.u32 $0x7F, v1;
	v60 =	vand.u32 $0x1FF80, v1  }
0xd: {  	v5 =	vsel vm1, $0xFFFFFFFF, v5;
	v1 =	vsel vm1, $0xFFFFFF80, v60  }
0xe: {  	v3 =	vor.u32 v4, v3;
	v61 =	vand.u32 $0xFFFFFC00, v1;
	v6 =	vand.u32 $0xFFFFFC00, v5  }
0xf: {  	v2 =	vor.u32 v2, v3;
	v1 =	vand.u32 $0x380, v1;
	v62 =	vadd.s32 v6, v61  }
0x10: {  	v63 =	vand.u32 $0x7F, v5;
	v1 =	vor.u32 v1, v62  }
0x11: {  	v1 =	vor.u32 v63, v1  }
0x12: {  	[tilespmem:s18], [sflag:$0x1] =	stream.indirect_vreg.gather [hbm4b:s2+s10], $0x1, v0, vm0, $0x4038;
	[tilespmem:$0x1F40] =	vst v63  }
0x13: {  	(ifvalue) =	ssetifvalue $0x7FFFFFFF  }
0x14: {  	[tilespmem:s15], [sflag:$0x1] =	stream.indirect_vreg.gather [hbm4b:s2+s10], $0x1, v2, vm0, $0x4038;
	[tilespmem:$0x1F40] =	vst v63  }
0x15: {  	s29 =	sadd.s32 $0x10, s15;
	(ifvalue) =	ssetifvalue $0x7FFFFFFF  }
0x16: {  	[tilespmem:s29], [sflag:$0x1] =	stream.indirect_vreg.gather [hbm4b:s2+s10], $0x1, v1, vm0, $0x4038;
	[tilespmem:$0x1F40] =	vst v63  }
0x17: {  	_ =	swait.ge [sflag:s4], $0x7D0  }
0x18: {  	s30 =	sshrl.u32 s13, $0x3;
	[sflag:s4] =	ssyncset.done $0x0  }
0x19: {  	s31 =	sand.u32 $0x7, s13;
	s15 =	sadd.s32 s8, s30;
	[sflag:s4] =	ssyncadd.s32 $0xFFFFF830  }
0x1a: {  	[hbm4b:s15+s31] =	stream.linear.scatter [tilespmem:s14], [sflag:$0x3], $0x7D0, $0x38;
	[tilespmem:$0x1F40] =	vst v63  }
.LBB2_5:
0x1b: {  	s15 =	sadd.s32 $0xFA00, s11  }
0x1c: {  	p1 =	sgt.s32 s15, $0x1387F  }
0x1d: {  	s15 =	smov.u32 @p1 s5;
	p1 =	sne.s32 s12, s9  }
.Ltmp1:
0x1e: {  	p0 =	slt.u32 s12, $0x2;
	(pc) =	sbr.rel @!p1 .LBB2_6-.Ltmp1, $4  }
0x1f: {  	s14 =	simm.s32 @!p0 $0x3  }
0x20: {  	_ =	swait.ge @!p0 [sflag:s14], $0x7D0  }
0x21: {  	s16 =	sadd.s32 $0x1, s12;
	s13 =	smov.u32 s11;
	[sflag:s14] =	ssyncset.done @!p0 $0x0  }
0x22: {  	s12 =	smov.u32 s16;
	s11 =	smov.u32 s15;
	[sflag:s14] =	ssyncadd.s32 @!p0 $0xFFFFF830  }
.LBB2_1:
0x23: {  	p0 =	sge.u32 s12, s7  }
0x24: {  	s14 =	sxor.u32 @!p0 $0x1, s12  }
0x25: {  	s14 =	smul.u32 @!p0 $0x1F40, s14  }
0x26: {  	s31 =	sadd.s32 $0xFFFFFFFF, s12;
	s15 =	sshrl.u32 @!p0 s11, $0x3  }
0x27: {  	s16 =	sand.u32 @!p0 $0x7, s11;
	s15 =	sadd.s32 @!p0 s3, s15;
	s14 =	sshra.s32 @!p0 s14, $0x2  }
0x28: {  	[tilespmem:s14], [sflag:$0x2] =	stream.linear.gather @!p0 [hbm4b:s15+s16], $0x7D0, $0x38;
	[tilespmem:$0x1F40] =	vst v63  }
0x29: {  	p0 =	sge.u32 s31, s7  }
.Ltmp2:
0x2a: {  	_ = 	snop;
	(pc) =	sbr.rel @p0 .LBB2_5-.Ltmp2, $1  }
0x2b: {  	_ =	sdelay $0x3  }
0x2c: {  	s14 =	sand.u32 $0x1, s12  }
0x2d: {  	_ =	swait.ge [sflag:s6], $0x7D0;
	p0 =	seq.s32 s14, $0x1;
	s14 =	simm.s32 $0x7D0  }
0x2e: {  	[sflag:s6] =	ssyncset.done $0x0;
	s14 =	simm.s32 @!p0 $0x0  }
0x2f: {  	[sflag:s6] =	ssyncadd.s32 $0xFFFFF830;
	(ifvalue) =	ssetifvalue $0x7FFFFFFF;
	v0 =	vld.msk [tilespmem:s14+$0x0 ss:$0x1], $0xffff;
	_ =	sdelay $0x4  }
0x30: {  	s15 =	sadd.s32 $0x10, s14;
	vm1 =	veq.s32 v0, $0x80000000;
	v2 =	vand.u32 $0x7F, v0;
	v0 =	vand.u32 $0x1FF80, v0  }
0x31: {  	v1 =	vld.msk [tilespmem:s15+$0x0 ss:$0x1], $0xffff;
	v2 =	vsel vm1, $0xFFFFFFFF, v2;
	v0 =	vsel vm1, $0xFFFFFF80, v0  }
0x32: {  	v3 =	vand.u32 $0xFFFFFC00, v0;
	v4 =	vand.u32 $0xFFFFFC00, v2  }
0x33: {  	v0 =	vand.u32 $0x380, v0;
	v3 =	vadd.s32 v4, v3  }
0x34: {  	v2 =	vand.u32 $0x7F, v2;
	v0 =	vor.u32 v0, v3  }
0x35: {  	v0 =	vor.u32 v2, v0  }
0x36: {  	vm1 =	veq.s32 v1, $0x80000000;
	v4 =	vand.u32 $0x7F, v1;
	v1 =	vand.u32 $0x1FF80, v1  }
0x37: {  	v3 =	vsel vm1, $0xFFFFFFFF, v4;
	v4 =	vsel vm1, $0xFFFFFF80, v1  }
0x38: {  	s17 =	simm.s32 $0x20;
	s14 =	sadd.s32 $0xFA0, s14;
	s16 =	sadd.s32 $0x10, s15;
	v5 =	vand.u32 $0xFFFFFC00, v4;
	v6 =	vand.u32 $0xFFFFFC00, v3  }
0x39: {  	s15 =	sadd.s32 $0x10, s14;
	s18 =	smov.u32 s14;
	v1 =	vld.msk [tilespmem:s16+$0x0 ss:$0x1], $0xffff;
	(ifvalue) =	ssetifvalue $0x7FFFFFFF;
	v2 =	vand.u32 $0x7F, v3;
	v4 =	vand.u32 $0x380, v4;
	v3 =	vadd.s32 v6, v5  }
.LBB2_3:
0x3a: {  	[tilespmem:s18], [sflag:$0x1] =	stream.indirect_vreg.gather [hbm4b:s2+s10], $0x1, v0, vm0, $0x4038;
	[tilespmem:$0x1F40] =	vst v63  }
0x3b: {  	s17 =	sadd.s32 $0x10, s17  }
0x3c: {  	v3 =	vor.u32 v4, v3;
	p0 =	slt.u32 s17, $0x7C0  }
.Ltmp3:
0x3d: {  	s16 =	sadd.s32 $0x10, s16;
	v0 =	vor.u32 v2, v3;
	(pc) =	sbr.rel @p0 .LBB2_3-.Ltmp3, $4  }
0x3e: {  	vm1 =	veq.s32 v1, $0x80000000;
	s18 =	smov.u32 s15;
	v2 =	vand.u32 $0x7F, v1;
	v3 =	vand.u32 $0x1FF80, v1;
	v1 =	vld.msk [tilespmem:s16+$0x0 ss:$0x1], $0xffff  }
0x3f: {  	v4 =	vsel vm1, $0xFFFFFFFF, v2;
	v5 =	vsel vm1, $0xFFFFFF80, v3  }
0x40: {  	v2 =	vand.u32 $0x7F, v4;
	v3 =	vand.u32 $0xFFFFFC00, v5;
	v4 =	vand.u32 $0xFFFFFC00, v4  }
0x41: {  	s15 =	sadd.s32 $0x10, s15;
	v3 =	vadd.s32 v4, v3;
	v4 =	vand.u32 $0x380, v5;
	(ifvalue) =	ssetifvalue $0x7FFFFFFF  }
.Ltmp4:
0x42: {  	_ = 	snop;
	(pc) =	sbr.rel .LBB2_4-.Ltmp4, $1  }
0x43: {  	_ =	sdelay $0x3  }
.LBB2_6:
0x44: {  	_ =	sfence.sel $0x180000  }
0x45: {  	s2 =	simm.s32 $0x2;
	[bflag:$0x0] =	sbarrier.arrive $0xFFFF  }
0x46: {  	s30 =	simm.s32 $0x3;
	[sflag:s2] =	ssyncpa.u1 $0x1  }
0x47: {  	s31 =	simm.s32 $0x1;
	[sflag:s30] =	ssyncpa.u1 $0x1  }
0x48: {  	[sflag:s31] =	ssyncpa.u1 $0x1  }
0x49: {  	p0 =	sne.s32 s1, $0x0;
	_ =	strace $0x90000053  }
0x4a: {  	s0 =	sadd.s32 @!p0 $0x100000, s0;
	[bflag:$0x2] =	sbarrier.arrive $0xFFFF  }
0x4b: {  	[sflag:s0] =	ssyncadd.tile.s32 @!p0 $0x1;
	_ =	shalt  }
.Lfunc_end2:
_tile_overlayer_lowered:
.L_overlay_start_2:
0x4c: {  	(tag) =	ssettag $0x2  }
0x4d: {  	s0 =	rddreg [dreg:$0x0];
	s2 =	stileid.u32  }
0x4e: {  	s1 =	rddreg [dreg:$0x1];
	p0 =	sne.s32 s2, $0x0  }
0x4f: {  	s3 =	rddreg [dreg:$0x2];
	[bflag:$0x3] =	sbarrier.arrive $0xFFFF;
	s2 =	simm.s32 @!p0 $0x1C01  }
0x50: {  	[timem:s3], [sflag:s2] =	dma.local @!p0 [hbm:s0], s1  }
0x51: {  	s0 =	simm.s32 @!p0 $0x1  }
0x52: {  	_ =	swait.ge @!p0 [sflag:s0], s1  }
0x53: {  	s1 =	ssub.s32 @!p0 $0x0, s1;
	[sflag:s0] =	ssyncset.done @!p0 $0x0  }
0x54: {  	[sflag:s0] =	ssyncadd.s32 @!p0 s1  }
0x55: {  	[bflag:$0x3] =	sbarrier.arrive $0xFFFF  }
0x56: {  	_ =	shalt  }

</sc_bundles>
